<compile_context>
chip_gen: v7x
topology: tpu7x:2x2x1
jax: 0.10.2.dev20260603
libtpu: 0.0.44.dev20260713+nightly
codegen_flags: <defaults>
</compile_context>

<pallas_src>
import functools

import jax
import jax.numpy as jnp
from jax.experimental import pallas as pl
from jax.experimental.pallas import tpu as pltpu
from jax.experimental.pallas import tpu_sc as plsc

EPS = 1e-12
_GATHER_WINDOW = 32
_NC = 2
_NS = 16
_NCHUNK = 2
_R = 1024


def _sc_gather(weight, flat_ids):
    n = flat_ids.shape[0]
    h = weight.shape[1]
    nw = _NC * _NS
    b_per_w = n // nw
    ch = min(_GATHER_WINDOW, b_per_w)
    nchunks = b_per_w // ch
    mesh = plsc.VectorSubcoreMesh(core_axis_name="core", subcore_axis_name="subcore")

    @functools.partial(
        pl.kernel,
        out_type=jax.ShapeDtypeStruct((n, h), weight.dtype),
        mesh=mesh,
        scratch_types=[
            pltpu.VMEM((b_per_w,), jnp.int32),
            pltpu.VMEM((2, ch, h), jnp.float32),
            pltpu.SemaphoreType.DMA,
            pltpu.SemaphoreType.DMA,
            pltpu.SemaphoreType.DMA,
            pltpu.SemaphoreType.DMA,
        ],
    )
    def k(table, idx_hbm, o_hbm, idx_v, buf, gs0, gs1, os0, os1):
        gsems = (gs0, gs1)
        osems = (os0, os1)
        c = jax.lax.axis_index("core")
        s = jax.lax.axis_index("subcore")
        wid = s * _NC + c
        base = wid * b_per_w
        pltpu.sync_copy(idx_hbm.at[pl.ds(base, b_per_w)], idx_v)

        def gstart(j):
            bi = j % 2
            return pltpu.async_copy(
                table.at[idx_v.at[pl.ds(j * ch, ch)]], buf.at[bi], gsems[bi])

        g = [gstart(0)]
        if nchunks > 1:
            g.append(gstart(1))
        o = [None, None]
        for j in range(nchunks):
            bi = j % 2
            g[bi].wait()
            o[bi] = pltpu.async_copy(
                buf.at[bi], o_hbm.at[pl.ds(base + j * ch, ch)], osems[bi])
            if j + 2 < nchunks:
                o[bi].wait()
                g[bi] = gstart(j + 2)
        for j in range(max(0, nchunks - 2), nchunks):
            o[j % 2].wait()

    return k(weight, flat_ids)


def _tc_add_ln(wsum, pos_emb, tt_f, tt_emb, gamma, beta, seq,
               out_rows, row0, prev):
    cn, h = wsum.shape
    r = _R
    pb = seq // r
    bsz = cn // seq
    blk0 = row0 // r

    def body(w_ref, p_ref, t_ref, te_ref, g_ref, b_ref, *rest):
        o_ref = rest[-1]
        x = w_ref[...]
        tt = t_ref[...].astype(jnp.float32)
        te = te_ref[...]
        t0 = te[0:1, :]
        t1 = te[1:2, :]
        x = x + p_ref[...] + t0 + tt * (t1 - t0)
        xb = x.astype(jnp.bfloat16)
        ones = jnp.ones((h, 128), jnp.bfloat16)
        dn = (((1,), (0,)), ((), ()))
        s1 = jax.lax.dot_general(xb, ones, dn,
                                 preferred_element_type=jnp.float32)
        s2 = jax.lax.dot_general(xb * xb, ones, dn,
                                 preferred_element_type=jnp.float32)
        mean = s1[:, :1] * (1.0 / h)
        ex2 = s2[:, :1] * (1.0 / h)
        rstd = jax.lax.rsqrt(ex2 - mean * mean + EPS)
        o_ref[...] = (x - mean) * rstd * g_ref[...] + b_ref[...]

    in_specs = [
        pl.BlockSpec((r, h), lambda j, b: (b * pb + j, 0)),
        pl.BlockSpec((r, h), lambda j, b: (j, 0)),
        pl.BlockSpec((r, 1), lambda j, b: (blk0 + b * pb + j, 0)),
        pl.BlockSpec((2, h), lambda j, b: (0, 0)),
        pl.BlockSpec((1, h), lambda j, b: (0, 0)),
        pl.BlockSpec((1, h), lambda j, b: (0, 0)),
    ]
    args = [wsum, pos_emb, tt_f, tt_emb, gamma.reshape(1, h),
            beta.reshape(1, h)]
    aliases = {}
    if prev is not None:
        in_specs.append(pl.BlockSpec(memory_space=pl.ANY))
        args.append(prev)
        aliases = {6: 0}
    return pl.pallas_call(
        body,
        grid=(pb, bsz),
        in_specs=in_specs,
        out_specs=pl.BlockSpec((r, h), lambda j, b: (blk0 + b * pb + j, 0)),
        out_shape=jax.ShapeDtypeStruct((out_rows, h), jnp.float32),
        input_output_aliases=aliases,
        compiler_params=pltpu.CompilerParams(
            dimension_semantics=("parallel", "parallel")),
    )(*args)


def kernel(input_ids, token_type_ids, weight, token_type_embeddings,
           position_embeddings, ln_gamma, ln_beta):
    b, s = input_ids.shape
    h = weight.shape[1]
    n = b * s
    flat_ids = input_ids.reshape(n).astype(jnp.int32)
    tt_f = token_type_ids.reshape(n, 1).astype(jnp.bfloat16)
    cn = n // _NCHUNK
    wsums = [
        _sc_gather(weight, jax.lax.slice(flat_ids, (ci * cn,), ((ci + 1) * cn,)))
        for ci in range(_NCHUNK)
    ]
    out = None
    for ci in range(_NCHUNK):
        out = _tc_add_ln(
            wsums[ci], position_embeddings, tt_f,
            token_type_embeddings, ln_gamma, ln_beta, s,
            n, ci * cn, out)
    return out.reshape(b, s, h)

# --- scband reference (transcript-rebuilt; emitter-appended) ---
"""Pipeline reference for scband-tfbert-embeddings-71365176590535 (READ-ONLY COPY).

The authoritative reference and input builder live on the scoring server;
editing this copy changes nothing except your own understanding.
"""

import jax, jax.numpy as jnp
import numpy as np

VOCAB_SIZE = 100000
HIDDEN = 768
MAX_POS = 2048
TYPE_VOCAB = 2
BATCH = 4
SEQ = 2048
EPS = 1e-12


def setup_inputs(seed: int = 0) -> dict:
    key = jax.random.key(seed)
    k1, k2, k3, k4, k5 = jax.random.split(key, 5)
    input_ids = jax.random.randint(k1, (BATCH, SEQ), 0, VOCAB_SIZE, dtype=jnp.int64 if jax.config.read('jax_enable_x64') else jnp.int32)
    token_type_ids = jax.random.randint(k2, (BATCH, SEQ), 0, TYPE_VOCAB, dtype=input_ids.dtype)
    weight = jax.random.normal(k3, (VOCAB_SIZE, HIDDEN), dtype=jnp.float32) * 0.02
    token_type_embeddings = jax.random.normal(k4, (TYPE_VOCAB, HIDDEN), dtype=jnp.float32) * 0.02
    position_embeddings = jax.random.normal(k5, (MAX_POS, HIDDEN), dtype=jnp.float32) * 0.02
    ln_gamma = jnp.ones((HIDDEN,), dtype=jnp.float32)
    ln_beta = jnp.zeros((HIDDEN,), dtype=jnp.float32)
    return {
        'input_ids': input_ids,
        'token_type_ids': token_type_ids,
        'weight': weight,
        'token_type_embeddings': token_type_embeddings,
        'position_embeddings': position_embeddings,
        'ln_gamma': ln_gamma,
        'ln_beta': ln_beta,
    }


def reference(input_ids, token_type_ids, weight, token_type_embeddings, position_embeddings, ln_gamma, ln_beta):
    # word embedding gather
    inputs_embeds = jnp.take(weight, input_ids, axis=0)  # [B, S, H]
    seq_len = inputs_embeds.shape[1]
    # position ids: past_key_values_length = 0
    position_ids = jnp.arange(0, seq_len)[None, :]  # [1, S]
    position_embeds = jnp.take(position_embeddings, position_ids, axis=0)  # [1, S, H]
    token_type_embeds = jnp.take(token_type_embeddings, token_type_ids, axis=0)  # [B, S, H]
    final = inputs_embeds + position_embeds + token_type_embeds
    # LayerNorm over last axis (epsilon = 1e-12)
    mean = jnp.mean(final, axis=-1, keepdims=True)
    var = jnp.mean(jnp.square(final - mean), axis=-1, keepdims=True)
    normed = (final - mean) / jnp.sqrt(var + EPS)
    out = normed * ln_gamma + ln_beta
    # dropout rate 0.0 / inference: identity
    return out

if __name__ == "__main__":
    import jax
    _d = setup_inputs()
    print(jax.jit(kernel)(*tuple(_d.values())))

</pallas_src>

<mosaic_0001>
#map = affine_map<(d0, d1) -> (0, 0)>
#map1 = affine_map<(d0, d1) -> (0)>
module attributes {stable_mosaic.version = 14 : i64} {
  func.func @k(%arg0: i32, %arg1: i32, %arg2: memref<100000x768xf32, #tpu.memory_space<hbm>>, %arg3: memref<4096xi32, #tpu.memory_space<hbm>>, %arg4: memref<4096x768xf32, #tpu.memory_space<hbm>>, %arg5: memref<128xi32, #tpu.memory_space<vmem>>, %arg6: memref<2x32x768xf32, #tpu.memory_space<vmem>>, %arg7: memref<!tpu.dma_semaphore, #tpu.memory_space<semaphore_mem>>, %arg8: memref<!tpu.dma_semaphore, #tpu.memory_space<semaphore_mem>>, %arg9: memref<!tpu.dma_semaphore, #tpu.memory_space<semaphore_mem>>, %arg10: memref<!tpu.dma_semaphore, #tpu.memory_space<semaphore_mem>>) attributes {dimension_semantics = [#tpu.dimension_semantics<core_parallel>, #tpu.dimension_semantics<subcore_parallel>], iteration_bounds = array<i64: 2, 16>, scalar_prefetch = 0 : i64, scratch_operands = 6 : i64, tpu.core_type = #tpu.core_type<sc_vector_subcore>, window_params = [{transform_indices = #map}, {transform_indices = #map1}, {transform_indices = #map}]} {
    %mul3A = arith.constant 2 : i32
    %mul3A_0 = arith.muli %arg1, %mul3A : i32
    %add3A = arith.addi %mul3A_0, %arg0 : i32
    %mul3A_1 = arith.constant 128 : i32
    %mul3A_2 = arith.muli %add3A, %mul3A_1 : i32
    "tpu.region"() ({
      %run_scoped3A = tpu.sem_alloc : memref<!tpu.dma_semaphore, #tpu.memory_space<semaphore_mem>>
      %dma_start3A_193 = tpu.memref_slice %arg3[%mul3A_2] : memref<4096xi32, #tpu.memory_space<hbm>> -> memref<128xi32, #tpu.memory_space<hbm>>
      %dma_start3A_194 = tpu.memref_slice %arg3[%mul3A_2] : memref<4096xi32, #tpu.memory_space<hbm>> -> memref<128xi32, #tpu.memory_space<hbm>>
      tpu.enqueue_dma source(%dma_start3A_194 : memref<128xi32, #tpu.memory_space<hbm>>) target(%arg5 : memref<128xi32, #tpu.memory_space<vmem>>) target_semaphore(%run_scoped3A : memref<!tpu.dma_semaphore, #tpu.memory_space<semaphore_mem>>)
      %dma_wait3A_195 = tpu.memref_slice %arg3[%mul3A_2] : memref<4096xi32, #tpu.memory_space<hbm>> -> memref<128xi32, #tpu.memory_space<hbm>>
      %dma_wait3A_196 = tpu.memref_slice %arg3[%mul3A_2] : memref<4096xi32, #tpu.memory_space<hbm>> -> memref<128xi32, #tpu.memory_space<hbm>>
      tpu.wait_dma2 semaphore(%run_scoped3A : memref<!tpu.dma_semaphore, #tpu.memory_space<semaphore_mem>>) src(%dma_wait3A_196 : memref<128xi32, #tpu.memory_space<hbm>>) dst(%arg5 : memref<128xi32, #tpu.memory_space<vmem>>)
      tpu.yield
    }) : () -> ()
    %dma_start3A = arith.constant 0 : i32
    %dma_start3A_3 = arith.constant 0 : i32
    %dma_start3A_4 = arith.constant 0 : i32
    %dma_start3A_5 = tpu.memref_slice %arg6[%dma_start3A, %dma_start3A_3, %dma_start3A_4] : memref<2x32x768xf32, #tpu.memory_space<vmem>> -> memref<1x32x768xf32, #tpu.memory_space<vmem>>
    %dma_start3A_6 = tpu.memref_squeeze %dma_start3A_5 : memref<1x32x768xf32, #tpu.memory_space<vmem>> -> memref<32x768xf32, #tpu.memory_space<vmem>>
    %dma_start3A_7 = arith.constant 0 : i32
    %dma_start3A_8 = tpu.memref_slice %arg5[%dma_start3A_7] : memref<128xi32, #tpu.memory_space<vmem>> -> memref<32xi32, #tpu.memory_space<vmem>>
    %dma_start3A_9 = arith.constant 0 : i32
    %dma_start3A_10 = arith.constant 0 : i32
    %dma_start3A_11 = tpu.memref_slice %arg2[%dma_start3A_9, %dma_start3A_10] : memref<100000x768xf32, #tpu.memory_space<hbm>> -> memref<100000x768xf32, #tpu.memory_space<hbm>>
    tpu.enqueue_indirect_dma source(%dma_start3A_11 : memref<100000x768xf32, #tpu.memory_space<hbm>>) target(%dma_start3A_6 : memref<32x768xf32, #tpu.memory_space<vmem>>) offsets(%dma_start3A_8 : memref<32xi32, #tpu.memory_space<vmem>>) semaphore(%arg7 : memref<!tpu.dma_semaphore, #tpu.memory_space<semaphore_mem>>)
    %dma_start3A_12 = arith.constant 1 : i32
    %dma_start3A_13 = arith.constant 0 : i32
    %dma_start3A_14 = arith.constant 0 : i32
    %dma_start3A_15 = tpu.memref_slice %arg6[%dma_start3A_12, %dma_start3A_13, %dma_start3A_14] : memref<2x32x768xf32, #tpu.memory_space<vmem>> -> memref<1x32x768xf32, #tpu.memory_space<vmem>>
    %dma_start3A_16 = tpu.memref_squeeze %dma_start3A_15 : memref<1x32x768xf32, #tpu.memory_space<vmem>> -> memref<32x768xf32, #tpu.memory_space<vmem>>
    %dma_start3A_17 = arith.constant 32 : i32
    %dma_start3A_18 = tpu.memref_slice %arg5[%dma_start3A_17] : memref<128xi32, #tpu.memory_space<vmem>> -> memref<32xi32, #tpu.memory_space<vmem>>
    %dma_start3A_19 = arith.constant 0 : i32
    %dma_start3A_20 = arith.constant 0 : i32
    %dma_start3A_21 = tpu.memref_slice %arg2[%dma_start3A_19, %dma_start3A_20] : memref<100000x768xf32, #tpu.memory_space<hbm>> -> memref<100000x768xf32, #tpu.memory_space<hbm>>
    tpu.enqueue_indirect_dma source(%dma_start3A_21 : memref<100000x768xf32, #tpu.memory_space<hbm>>) target(%dma_start3A_16 : memref<32x768xf32, #tpu.memory_space<vmem>>) offsets(%dma_start3A_18 : memref<32xi32, #tpu.memory_space<vmem>>) semaphore(%arg8 : memref<!tpu.dma_semaphore, #tpu.memory_space<semaphore_mem>>)
    %dma_wait3A = arith.constant 0 : i32
    %dma_wait3A_22 = arith.constant 0 : i32
    %dma_wait3A_23 = arith.constant 0 : i32
    %dma_wait3A_24 = tpu.memref_slice %arg6[%dma_wait3A, %dma_wait3A_22, %dma_wait3A_23] : memref<2x32x768xf32, #tpu.memory_space<vmem>> -> memref<1x32x768xf32, #tpu.memory_space<vmem>>
    %dma_wait3A_25 = tpu.memref_squeeze %dma_wait3A_24 : memref<1x32x768xf32, #tpu.memory_space<vmem>> -> memref<32x768xf32, #tpu.memory_space<vmem>>
    %dma_wait3A_26 = arith.constant 0 : i32
    %dma_wait3A_27 = tpu.memref_slice %arg5[%dma_wait3A_26] : memref<128xi32, #tpu.memory_space<vmem>> -> memref<32xi32, #tpu.memory_space<vmem>>
    %dma_wait3A_28 = arith.constant 0 : i32
    %dma_wait3A_29 = arith.constant 0 : i32
    %dma_wait3A_30 = tpu.memref_slice %arg2[%dma_wait3A_28, %dma_wait3A_29] : memref<100000x768xf32, #tpu.memory_space<hbm>> -> memref<100000x768xf32, #tpu.memory_space<hbm>>
    tpu.wait_indirect_dma semaphore(%arg7 : memref<!tpu.dma_semaphore, #tpu.memory_space<semaphore_mem>>) src(%dma_wait3A_30 : memref<100000x768xf32, #tpu.memory_space<hbm>>) dst(%dma_wait3A_25 : memref<32x768xf32, #tpu.memory_space<vmem>>)
    %add3A_31 = arith.constant 0 : i32
    %add3A_32 = arith.addi %mul3A_2, %add3A_31 : i32
    %dma_start3A_33 = arith.constant 0 : i32
    %dma_start3A_34 = arith.constant 0 : i32
    %dma_start3A_35 = arith.constant 0 : i32
    %dma_start3A_36 = tpu.memref_slice %arg6[%dma_start3A_33, %dma_start3A_34, %dma_start3A_35] : memref<2x32x768xf32, #tpu.memory_space<vmem>> -> memref<1x32x768xf32, #tpu.memory_space<vmem>>
    %dma_start3A_37 = tpu.memref_squeeze %dma_start3A_36 : memref<1x32x768xf32, #tpu.memory_space<vmem>> -> memref<32x768xf32, #tpu.memory_space<vmem>>
    %dma_start3A_38 = arith.constant 0 : i32
    %dma_start3A_39 = tpu.memref_slice %arg4[%add3A_32, %dma_start3A_38] : memref<4096x768xf32, #tpu.memory_space<hbm>> -> memref<32x768xf32, #tpu.memory_space<hbm>>
    %dma_start3A_40 = arith.constant 0 : i32
    %dma_start3A_41 = tpu.memref_slice %arg4[%add3A_32, %dma_start3A_40] : memref<4096x768xf32, #tpu.memory_space<hbm>> -> memref<32x768xf32, #tpu.memory_space<hbm>>
    %dma_start3A_42 = arith.constant 0 : i32
    %dma_start3A_43 = arith.constant 0 : i32
    %dma_start3A_44 = tpu.memref_slice %arg6[%dma_start3A_33, %dma_start3A_42, %dma_start3A_43] : memref<2x32x768xf32, #tpu.memory_space<vmem>> -> memref<1x32x768xf32, #tpu.memory_space<vmem>>
    %dma_start3A_45 = tpu.memref_squeeze %dma_start3A_44 : memref<1x32x768xf32, #tpu.memory_space<vmem>> -> memref<32x768xf32, #tpu.memory_space<vmem>>
    tpu.enqueue_dma source(%dma_start3A_45 : memref<32x768xf32, #tpu.memory_space<vmem>>) target(%dma_start3A_41 : memref<32x768xf32, #tpu.memory_space<hbm>>) target_semaphore(%arg9 : memref<!tpu.dma_semaphore, #tpu.memory_space<semaphore_mem>>)
    %dma_wait3A_46 = arith.constant 0 : i32
    %dma_wait3A_47 = arith.constant 0 : i32
    %dma_wait3A_48 = arith.constant 0 : i32
    %dma_wait3A_49 = tpu.memref_slice %arg6[%dma_wait3A_46, %dma_wait3A_47, %dma_wait3A_48] : memref<2x32x768xf32, #tpu.memory_space<vmem>> -> memref<1x32x768xf32, #tpu.memory_space<vmem>>
    %dma_wait3A_50 = tpu.memref_squeeze %dma_wait3A_49 : memref<1x32x768xf32, #tpu.memory_space<vmem>> -> memref<32x768xf32, #tpu.memory_space<vmem>>
    %dma_wait3A_51 = arith.constant 0 : i32
    %dma_wait3A_52 = tpu.memref_slice %arg4[%add3A_32, %dma_wait3A_51] : memref<4096x768xf32, #tpu.memory_space<hbm>> -> memref<32x768xf32, #tpu.memory_space<hbm>>
    %dma_wait3A_53 = arith.constant 0 : i32
    %dma_wait3A_54 = tpu.memref_slice %arg4[%add3A_32, %dma_wait3A_53] : memref<4096x768xf32, #tpu.memory_space<hbm>> -> memref<32x768xf32, #tpu.memory_space<hbm>>
    %dma_wait3A_55 = arith.constant 0 : i32
    %dma_wait3A_56 = arith.constant 0 : i32
    %dma_wait3A_57 = tpu.memref_slice %arg6[%dma_wait3A_46, %dma_wait3A_55, %dma_wait3A_56] : memref<2x32x768xf32, #tpu.memory_space<vmem>> -> memref<1x32x768xf32, #tpu.memory_space<vmem>>
    %dma_wait3A_58 = tpu.memref_squeeze %dma_wait3A_57 : memref<1x32x768xf32, #tpu.memory_space<vmem>> -> memref<32x768xf32, #tpu.memory_space<vmem>>
    tpu.wait_dma2 semaphore(%arg9 : memref<!tpu.dma_semaphore, #tpu.memory_space<semaphore_mem>>) src(%dma_wait3A_58 : memref<32x768xf32, #tpu.memory_space<vmem>>) dst(%dma_wait3A_54 : memref<32x768xf32, #tpu.memory_space<hbm>>)
    %dma_start3A_59 = arith.constant 0 : i32
    %dma_start3A_60 = arith.constant 0 : i32
    %dma_start3A_61 = arith.constant 0 : i32
    %dma_start3A_62 = tpu.memref_slice %arg6[%dma_start3A_59, %dma_start3A_60, %dma_start3A_61] : memref<2x32x768xf32, #tpu.memory_space<vmem>> -> memref<1x32x768xf32, #tpu.memory_space<vmem>>
    %dma_start3A_63 = tpu.memref_squeeze %dma_start3A_62 : memref<1x32x768xf32, #tpu.memory_space<vmem>> -> memref<32x768xf32, #tpu.memory_space<vmem>>
    %dma_start3A_64 = arith.constant 64 : i32
    %dma_start3A_65 = tpu.memref_slice %arg5[%dma_start3A_64] : memref<128xi32, #tpu.memory_space<vmem>> -> memref<32xi32, #tpu.memory_space<vmem>>
    %dma_start3A_66 = arith.constant 0 : i32
    %dma_start3A_67 = arith.constant 0 : i32
    %dma_start3A_68 = tpu.memref_slice %arg2[%dma_start3A_66, %dma_start3A_67] : memref<100000x768xf32, #tpu.memory_space<hbm>> -> memref<100000x768xf32, #tpu.memory_space<hbm>>
    tpu.enqueue_indirect_dma source(%dma_start3A_68 : memref<100000x768xf32, #tpu.memory_space<hbm>>) target(%dma_start3A_63 : memref<32x768xf32, #tpu.memory_space<vmem>>) offsets(%dma_start3A_65 : memref<32xi32, #tpu.memory_space<vmem>>) semaphore(%arg7 : memref<!tpu.dma_semaphore, #tpu.memory_space<semaphore_mem>>)
    %dma_wait3A_69 = arith.constant 1 : i32
    %dma_wait3A_70 = arith.constant 0 : i32
    %dma_wait3A_71 = arith.constant 0 : i32
    %dma_wait3A_72 = tpu.memref_slice %arg6[%dma_wait3A_69, %dma_wait3A_70, %dma_wait3A_71] : memref<2x32x768xf32, #tpu.memory_space<vmem>> -> memref<1x32x768xf32, #tpu.memory_space<vmem>>
    %dma_wait3A_73 = tpu.memref_squeeze %dma_wait3A_72 : memref<1x32x768xf32, #tpu.memory_space<vmem>> -> memref<32x768xf32, #tpu.memory_space<vmem>>
    %dma_wait3A_74 = arith.constant 32 : i32
    %dma_wait3A_75 = tpu.memref_slice %arg5[%dma_wait3A_74] : memref<128xi32, #tpu.memory_space<vmem>> -> memref<32xi32, #tpu.memory_space<vmem>>
    %dma_wait3A_76 = arith.constant 0 : i32
    %dma_wait3A_77 = arith.constant 0 : i32
    %dma_wait3A_78 = tpu.memref_slice %arg2[%dma_wait3A_76, %dma_wait3A_77] : memref<100000x768xf32, #tpu.memory_space<hbm>> -> memref<100000x768xf32, #tpu.memory_space<hbm>>
    tpu.wait_indirect_dma semaphore(%arg8 : memref<!tpu.dma_semaphore, #tpu.memory_space<semaphore_mem>>) src(%dma_wait3A_78 : memref<100000x768xf32, #tpu.memory_space<hbm>>) dst(%dma_wait3A_73 : memref<32x768xf32, #tpu.memory_space<vmem>>)
    %add3A_79 = arith.constant 32 : i32
    %add3A_80 = arith.addi %mul3A_2, %add3A_79 : i32
    %dma_start3A_81 = arith.constant 1 : i32
    %dma_start3A_82 = arith.constant 0 : i32
    %dma_start3A_83 = arith.constant 0 : i32
    %dma_start3A_84 = tpu.memref_slice %arg6[%dma_start3A_81, %dma_start3A_82, %dma_start3A_83] : memref<2x32x768xf32, #tpu.memory_space<vmem>> -> memref<1x32x768xf32, #tpu.memory_space<vmem>>
    %dma_start3A_85 = tpu.memref_squeeze %dma_start3A_84 : memref<1x32x768xf32, #tpu.memory_space<vmem>> -> memref<32x768xf32, #tpu.memory_space<vmem>>
    %dma_start3A_86 = arith.constant 0 : i32
    %dma_start3A_87 = tpu.memref_slice %arg4[%add3A_80, %dma_start3A_86] : memref<4096x768xf32, #tpu.memory_space<hbm>> -> memref<32x768xf32, #tpu.memory_space<hbm>>
    %dma_start3A_88 = arith.constant 0 : i32
    %dma_start3A_89 = tpu.memref_slice %arg4[%add3A_80, %dma_start3A_88] : memref<4096x768xf32, #tpu.memory_space<hbm>> -> memref<32x768xf32, #tpu.memory_space<hbm>>
    %dma_start3A_90 = arith.constant 0 : i32
    %dma_start3A_91 = arith.constant 0 : i32
    %dma_start3A_92 = tpu.memref_slice %arg6[%dma_start3A_81, %dma_start3A_90, %dma_start3A_91] : memref<2x32x768xf32, #tpu.memory_space<vmem>> -> memref<1x32x768xf32, #tpu.memory_space<vmem>>
    %dma_start3A_93 = tpu.memref_squeeze %dma_start3A_92 : memref<1x32x768xf32, #tpu.memory_space<vmem>> -> memref<32x768xf32, #tpu.memory_space<vmem>>
    tpu.enqueue_dma source(%dma_start3A_93 : memref<32x768xf32, #tpu.memory_space<vmem>>) target(%dma_start3A_89 : memref<32x768xf32, #tpu.memory_space<hbm>>) target_semaphore(%arg10 : memref<!tpu.dma_semaphore, #tpu.memory_space<semaphore_mem>>)
    %dma_wait3A_94 = arith.constant 1 : i32
    %dma_wait3A_95 = arith.constant 0 : i32
    %dma_wait3A_96 = arith.constant 0 : i32
    %dma_wait3A_97 = tpu.memref_slice %arg6[%dma_wait3A_94, %dma_wait3A_95, %dma_wait3A_96] : memref<2x32x768xf32, #tpu.memory_space<vmem>> -> memref<1x32x768xf32, #tpu.memory_space<vmem>>
    %dma_wait3A_98 = tpu.memref_squeeze %dma_wait3A_97 : memref<1x32x768xf32, #tpu.memory_space<vmem>> -> memref<32x768xf32, #tpu.memory_space<vmem>>
    %dma_wait3A_99 = arith.constant 0 : i32
    %dma_wait3A_100 = tpu.memref_slice %arg4[%add3A_80, %dma_wait3A_99] : memref<4096x768xf32, #tpu.memory_space<hbm>> -> memref<32x768xf32, #tpu.memory_space<hbm>>
    %dma_wait3A_101 = arith.constant 0 : i32
    %dma_wait3A_102 = tpu.memref_slice %arg4[%add3A_80, %dma_wait3A_101] : memref<4096x768xf32, #tpu.memory_space<hbm>> -> memref<32x768xf32, #tpu.memory_space<hbm>>
    %dma_wait3A_103 = arith.constant 0 : i32
    %dma_wait3A_104 = arith.constant 0 : i32
    %dma_wait3A_105 = tpu.memref_slice %arg6[%dma_wait3A_94, %dma_wait3A_103, %dma_wait3A_104] : memref<2x32x768xf32, #tpu.memory_space<vmem>> -> memref<1x32x768xf32, #tpu.memory_space<vmem>>
    %dma_wait3A_106 = tpu.memref_squeeze %dma_wait3A_105 : memref<1x32x768xf32, #tpu.memory_space<vmem>> -> memref<32x768xf32, #tpu.memory_space<vmem>>
    tpu.wait_dma2 semaphore(%arg10 : memref<!tpu.dma_semaphore, #tpu.memory_space<semaphore_mem>>) src(%dma_wait3A_106 : memref<32x768xf32, #tpu.memory_space<vmem>>) dst(%dma_wait3A_102 : memref<32x768xf32, #tpu.memory_space<hbm>>)
    %dma_start3A_107 = arith.constant 1 : i32
    %dma_start3A_108 = arith.constant 0 : i32
    %dma_start3A_109 = arith.constant 0 : i32
    %dma_start3A_110 = tpu.memref_slice %arg6[%dma_start3A_107, %dma_start3A_108, %dma_start3A_109] : memref<2x32x768xf32, #tpu.memory_space<vmem>> -> memref<1x32x768xf32, #tpu.memory_space<vmem>>
    %dma_start3A_111 = tpu.memref_squeeze %dma_start3A_110 : memref<1x32x768xf32, #tpu.memory_space<vmem>> -> memref<32x768xf32, #tpu.memory_space<vmem>>
    %dma_start3A_112 = arith.constant 96 : i32
    %dma_start3A_113 = tpu.memref_slice %arg5[%dma_start3A_112] : memref<128xi32, #tpu.memory_space<vmem>> -> memref<32xi32, #tpu.memory_space<vmem>>
    %dma_start3A_114 = arith.constant 0 : i32
    %dma_start3A_115 = arith.constant 0 : i32
    %dma_start3A_116 = tpu.memref_slice %arg2[%dma_start3A_114, %dma_start3A_115] : memref<100000x768xf32, #tpu.memory_space<hbm>> -> memref<100000x768xf32, #tpu.memory_space<hbm>>
    tpu.enqueue_indirect_dma source(%dma_start3A_116 : memref<100000x768xf32, #tpu.memory_space<hbm>>) target(%dma_start3A_111 : memref<32x768xf32, #tpu.memory_space<vmem>>) offsets(%dma_start3A_113 : memref<32xi32, #tpu.memory_space<vmem>>) semaphore(%arg8 : memref<!tpu.dma_semaphore, #tpu.memory_space<semaphore_mem>>)
    %dma_wait3A_117 = arith.constant 0 : i32
    %dma_wait3A_118 = arith.constant 0 : i32
    %dma_wait3A_119 = arith.constant 0 : i32
    %dma_wait3A_120 = tpu.memref_slice %arg6[%dma_wait3A_117, %dma_wait3A_118, %dma_wait3A_119] : memref<2x32x768xf32, #tpu.memory_space<vmem>> -> memref<1x32x768xf32, #tpu.memory_space<vmem>>
    %dma_wait3A_121 = tpu.memref_squeeze %dma_wait3A_120 : memref<1x32x768xf32, #tpu.memory_space<vmem>> -> memref<32x768xf32, #tpu.memory_space<vmem>>
    %dma_wait3A_122 = arith.constant 64 : i32
    %dma_wait3A_123 = tpu.memref_slice %arg5[%dma_wait3A_122] : memref<128xi32, #tpu.memory_space<vmem>> -> memref<32xi32, #tpu.memory_space<vmem>>
    %dma_wait3A_124 = arith.constant 0 : i32
    %dma_wait3A_125 = arith.constant 0 : i32
    %dma_wait3A_126 = tpu.memref_slice %arg2[%dma_wait3A_124, %dma_wait3A_125] : memref<100000x768xf32, #tpu.memory_space<hbm>> -> memref<100000x768xf32, #tpu.memory_space<hbm>>
    tpu.wait_indirect_dma semaphore(%arg7 : memref<!tpu.dma_semaphore, #tpu.memory_space<semaphore_mem>>) src(%dma_wait3A_126 : memref<100000x768xf32, #tpu.memory_space<hbm>>) dst(%dma_wait3A_121 : memref<32x768xf32, #tpu.memory_space<vmem>>)
    %add3A_127 = arith.constant 64 : i32
    %add3A_128 = arith.addi %mul3A_2, %add3A_127 : i32
    %dma_start3A_129 = arith.constant 0 : i32
    %dma_start3A_130 = arith.constant 0 : i32
    %dma_start3A_131 = arith.constant 0 : i32
    %dma_start3A_132 = tpu.memref_slice %arg6[%dma_start3A_129, %dma_start3A_130, %dma_start3A_131] : memref<2x32x768xf32, #tpu.memory_space<vmem>> -> memref<1x32x768xf32, #tpu.memory_space<vmem>>
    %dma_start3A_133 = tpu.memref_squeeze %dma_start3A_132 : memref<1x32x768xf32, #tpu.memory_space<vmem>> -> memref<32x768xf32, #tpu.memory_space<vmem>>
    %dma_start3A_134 = arith.constant 0 : i32
    %dma_start3A_135 = tpu.memref_slice %arg4[%add3A_128, %dma_start3A_134] : memref<4096x768xf32, #tpu.memory_space<hbm>> -> memref<32x768xf32, #tpu.memory_space<hbm>>
    %dma_start3A_136 = arith.constant 0 : i32
    %dma_start3A_137 = tpu.memref_slice %arg4[%add3A_128, %dma_start3A_136] : memref<4096x768xf32, #tpu.memory_space<hbm>> -> memref<32x768xf32, #tpu.memory_space<hbm>>
    %dma_start3A_138 = arith.constant 0 : i32
    %dma_start3A_139 = arith.constant 0 : i32
    %dma_start3A_140 = tpu.memref_slice %arg6[%dma_start3A_129, %dma_start3A_138, %dma_start3A_139] : memref<2x32x768xf32, #tpu.memory_space<vmem>> -> memref<1x32x768xf32, #tpu.memory_space<vmem>>
    %dma_start3A_141 = tpu.memref_squeeze %dma_start3A_140 : memref<1x32x768xf32, #tpu.memory_space<vmem>> -> memref<32x768xf32, #tpu.memory_space<vmem>>
    tpu.enqueue_dma source(%dma_start3A_141 : memref<32x768xf32, #tpu.memory_space<vmem>>) target(%dma_start3A_137 : memref<32x768xf32, #tpu.memory_space<hbm>>) target_semaphore(%arg9 : memref<!tpu.dma_semaphore, #tpu.memory_space<semaphore_mem>>)
    %dma_wait3A_142 = arith.constant 1 : i32
    %dma_wait3A_143 = arith.constant 0 : i32
    %dma_wait3A_144 = arith.constant 0 : i32
    %dma_wait3A_145 = tpu.memref_slice %arg6[%dma_wait3A_142, %dma_wait3A_143, %dma_wait3A_144] : memref<2x32x768xf32, #tpu.memory_space<vmem>> -> memref<1x32x768xf32, #tpu.memory_space<vmem>>
    %dma_wait3A_146 = tpu.memref_squeeze %dma_wait3A_145 : memref<1x32x768xf32, #tpu.memory_space<vmem>> -> memref<32x768xf32, #tpu.memory_space<vmem>>
    %dma_wait3A_147 = arith.constant 96 : i32
    %dma_wait3A_148 = tpu.memref_slice %arg5[%dma_wait3A_147] : memref<128xi32, #tpu.memory_space<vmem>> -> memref<32xi32, #tpu.memory_space<vmem>>
    %dma_wait3A_149 = arith.constant 0 : i32
    %dma_wait3A_150 = arith.constant 0 : i32
    %dma_wait3A_151 = tpu.memref_slice %arg2[%dma_wait3A_149, %dma_wait3A_150] : memref<100000x768xf32, #tpu.memory_space<hbm>> -> memref<100000x768xf32, #tpu.memory_space<hbm>>
    tpu.wait_indirect_dma semaphore(%arg8 : memref<!tpu.dma_semaphore, #tpu.memory_space<semaphore_mem>>) src(%dma_wait3A_151 : memref<100000x768xf32, #tpu.memory_space<hbm>>) dst(%dma_wait3A_146 : memref<32x768xf32, #tpu.memory_space<vmem>>)
    %add3A_152 = arith.constant 96 : i32
    %add3A_153 = arith.addi %mul3A_2, %add3A_152 : i32
    %dma_start3A_154 = arith.constant 1 : i32
    %dma_start3A_155 = arith.constant 0 : i32
    %dma_start3A_156 = arith.constant 0 : i32
    %dma_start3A_157 = tpu.memref_slice %arg6[%dma_start3A_154, %dma_start3A_155, %dma_start3A_156] : memref<2x32x768xf32, #tpu.memory_space<vmem>> -> memref<1x32x768xf32, #tpu.memory_space<vmem>>
    %dma_start3A_158 = tpu.memref_squeeze %dma_start3A_157 : memref<1x32x768xf32, #tpu.memory_space<vmem>> -> memref<32x768xf32, #tpu.memory_space<vmem>>
    %dma_start3A_159 = arith.constant 0 : i32
    %dma_start3A_160 = tpu.memref_slice %arg4[%add3A_153, %dma_start3A_159] : memref<4096x768xf32, #tpu.memory_space<hbm>> -> memref<32x768xf32, #tpu.memory_space<hbm>>
    %dma_start3A_161 = arith.constant 0 : i32
    %dma_start3A_162 = tpu.memref_slice %arg4[%add3A_153, %dma_start3A_161] : memref<4096x768xf32, #tpu.memory_space<hbm>> -> memref<32x768xf32, #tpu.memory_space<hbm>>
    %dma_start3A_163 = arith.constant 0 : i32
    %dma_start3A_164 = arith.constant 0 : i32
    %dma_start3A_165 = tpu.memref_slice %arg6[%dma_start3A_154, %dma_start3A_163, %dma_start3A_164] : memref<2x32x768xf32, #tpu.memory_space<vmem>> -> memref<1x32x768xf32, #tpu.memory_space<vmem>>
    %dma_start3A_166 = tpu.memref_squeeze %dma_start3A_165 : memref<1x32x768xf32, #tpu.memory_space<vmem>> -> memref<32x768xf32, #tpu.memory_space<vmem>>
    tpu.enqueue_dma source(%dma_start3A_166 : memref<32x768xf32, #tpu.memory_space<vmem>>) target(%dma_start3A_162 : memref<32x768xf32, #tpu.memory_space<hbm>>) target_semaphore(%arg10 : memref<!tpu.dma_semaphore, #tpu.memory_space<semaphore_mem>>)
    %dma_wait3A_167 = arith.constant 0 : i32
    %dma_wait3A_168 = arith.constant 0 : i32
    %dma_wait3A_169 = arith.constant 0 : i32
    %dma_wait3A_170 = tpu.memref_slice %arg6[%dma_wait3A_167, %dma_wait3A_168, %dma_wait3A_169] : memref<2x32x768xf32, #tpu.memory_space<vmem>> -> memref<1x32x768xf32, #tpu.memory_space<vmem>>
    %dma_wait3A_171 = tpu.memref_squeeze %dma_wait3A_170 : memref<1x32x768xf32, #tpu.memory_space<vmem>> -> memref<32x768xf32, #tpu.memory_space<vmem>>
    %dma_wait3A_172 = arith.constant 0 : i32
    %dma_wait3A_173 = tpu.memref_slice %arg4[%add3A_128, %dma_wait3A_172] : memref<4096x768xf32, #tpu.memory_space<hbm>> -> memref<32x768xf32, #tpu.memory_space<hbm>>
    %dma_wait3A_174 = arith.constant 0 : i32
    %dma_wait3A_175 = tpu.memref_slice %arg4[%add3A_128, %dma_wait3A_174] : memref<4096x768xf32, #tpu.memory_space<hbm>> -> memref<32x768xf32, #tpu.memory_space<hbm>>
    %dma_wait3A_176 = arith.constant 0 : i32
    %dma_wait3A_177 = arith.constant 0 : i32
    %dma_wait3A_178 = tpu.memref_slice %arg6[%dma_wait3A_167, %dma_wait3A_176, %dma_wait3A_177] : memref<2x32x768xf32, #tpu.memory_space<vmem>> -> memref<1x32x768xf32, #tpu.memory_space<vmem>>
    %dma_wait3A_179 = tpu.memref_squeeze %dma_wait3A_178 : memref<1x32x768xf32, #tpu.memory_space<vmem>> -> memref<32x768xf32, #tpu.memory_space<vmem>>
    tpu.wait_dma2 semaphore(%arg9 : memref<!tpu.dma_semaphore, #tpu.memory_space<semaphore_mem>>) src(%dma_wait3A_179 : memref<32x768xf32, #tpu.memory_space<vmem>>) dst(%dma_wait3A_175 : memref<32x768xf32, #tpu.memory_space<hbm>>)
    %dma_wait3A_180 = arith.constant 1 : i32
    %dma_wait3A_181 = arith.constant 0 : i32
    %dma_wait3A_182 = arith.constant 0 : i32
    %dma_wait3A_183 = tpu.memref_slice %arg6[%dma_wait3A_180, %dma_wait3A_181, %dma_wait3A_182] : memref<2x32x768xf32, #tpu.memory_space<vmem>> -> memref<1x32x768xf32, #tpu.memory_space<vmem>>
    %dma_wait3A_184 = tpu.memref_squeeze %dma_wait3A_183 : memref<1x32x768xf32, #tpu.memory_space<vmem>> -> memref<32x768xf32, #tpu.memory_space<vmem>>
    %dma_wait3A_185 = arith.constant 0 : i32
    %dma_wait3A_186 = tpu.memref_slice %arg4[%add3A_153, %dma_wait3A_185] : memref<4096x768xf32, #tpu.memory_space<hbm>> -> memref<32x768xf32, #tpu.memory_space<hbm>>
    %dma_wait3A_187 = arith.constant 0 : i32
    %dma_wait3A_188 = tpu.memref_slice %arg4[%add3A_153, %dma_wait3A_187] : memref<4096x768xf32, #tpu.memory_space<hbm>> -> memref<32x768xf32, #tpu.memory_space<hbm>>
    %dma_wait3A_189 = arith.constant 0 : i32
    %dma_wait3A_190 = arith.constant 0 : i32
    %dma_wait3A_191 = tpu.memref_slice %arg6[%dma_wait3A_180, %dma_wait3A_189, %dma_wait3A_190] : memref<2x32x768xf32, #tpu.memory_space<vmem>> -> memref<1x32x768xf32, #tpu.memory_space<vmem>>
    %dma_wait3A_192 = tpu.memref_squeeze %dma_wait3A_191 : memref<1x32x768xf32, #tpu.memory_space<vmem>> -> memref<32x768xf32, #tpu.memory_space<vmem>>
    tpu.wait_dma2 semaphore(%arg10 : memref<!tpu.dma_semaphore, #tpu.memory_space<semaphore_mem>>) src(%dma_wait3A_192 : memref<32x768xf32, #tpu.memory_space<vmem>>) dst(%dma_wait3A_188 : memref<32x768xf32, #tpu.memory_space<hbm>>)
    return
  }
}

#map = affine_map<(d0, d1) -> (0, 0)>
#map1 = affine_map<(d0, d1) -> (0)>
module attributes {stable_mosaic.version = 14 : i64} {
  func.func @k(%arg0: i32, %arg1: i32, %arg2: memref<100000x768xf32, #tpu.memory_space<hbm>>, %arg3: memref<4096xi32, #tpu.memory_space<hbm>>, %arg4: memref<4096x768xf32, #tpu.memory_space<hbm>>, %arg5: memref<128xi32, #tpu.memory_space<vmem>>, %arg6: memref<2x32x768xf32, #tpu.memory_space<vmem>>, %arg7: memref<!tpu.dma_semaphore, #tpu.memory_space<semaphore_mem>>, %arg8: memref<!tpu.dma_semaphore, #tpu.memory_space<semaphore_mem>>, %arg9: memref<!tpu.dma_semaphore, #tpu.memory_space<semaphore_mem>>, %arg10: memref<!tpu.dma_semaphore, #tpu.memory_space<semaphore_mem>>) attributes {dimension_semantics = [#tpu.dimension_semantics<core_parallel>, #tpu.dimension_semantics<subcore_parallel>], iteration_bounds = array<i64: 2, 16>, scalar_prefetch = 0 : i64, scratch_operands = 6 : i64, tpu.core_type = #tpu.core_type<sc_vector_subcore>, window_params = [{transform_indices = #map}, {transform_indices = #map1}, {transform_indices = #map}]} {
    %mul3A = arith.constant 2 : i32
    %mul3A_0 = arith.muli %arg1, %mul3A : i32
    %add3A = arith.addi %mul3A_0, %arg0 : i32
    %mul3A_1 = arith.constant 128 : i32
    %mul3A_2 = arith.muli %add3A, %mul3A_1 : i32
    "tpu.region"() ({
      %run_scoped3A = tpu.sem_alloc : memref<!tpu.dma_semaphore, #tpu.memory_space<semaphore_mem>>
      %dma_start3A_193 = tpu.memref_slice %arg3[%mul3A_2] : memref<4096xi32, #tpu.memory_space<hbm>> -> memref<128xi32, #tpu.memory_space<hbm>>
      %dma_start3A_194 = tpu.memref_slice %arg3[%mul3A_2] : memref<4096xi32, #tpu.memory_space<hbm>> -> memref<128xi32, #tpu.memory_space<hbm>>
      tpu.enqueue_dma source(%dma_start3A_194 : memref<128xi32, #tpu.memory_space<hbm>>) target(%arg5 : memref<128xi32, #tpu.memory_space<vmem>>) target_semaphore(%run_scoped3A : memref<!tpu.dma_semaphore, #tpu.memory_space<semaphore_mem>>)
      %dma_wait3A_195 = tpu.memref_slice %arg3[%mul3A_2] : memref<4096xi32, #tpu.memory_space<hbm>> -> memref<128xi32, #tpu.memory_space<hbm>>
      %dma_wait3A_196 = tpu.memref_slice %arg3[%mul3A_2] : memref<4096xi32, #tpu.memory_space<hbm>> -> memref<128xi32, #tpu.memory_space<hbm>>
      tpu.wait_dma2 semaphore(%run_scoped3A : memref<!tpu.dma_semaphore, #tpu.memory_space<semaphore_mem>>) src(%dma_wait3A_196 : memref<128xi32, #tpu.memory_space<hbm>>) dst(%arg5 : memref<128xi32, #tpu.memory_space<vmem>>)
      tpu.yield
    }) : () -> ()
    %dma_start3A = arith.constant 0 : i32
    %dma_start3A_3 = arith.constant 0 : i32
    %dma_start3A_4 = arith.constant 0 : i32
    %dma_start3A_5 = tpu.memref_slice %arg6[%dma_start3A, %dma_start3A_3, %dma_start3A_4] : memref<2x32x768xf32, #tpu.memory_space<vmem>> -> memref<1x32x768xf32, #tpu.memory_space<vmem>>
    %dma_start3A_6 = tpu.memref_squeeze %dma_start3A_5 : memref<1x32x768xf32, #tpu.memory_space<vmem>> -> memref<32x768xf32, #tpu.memory_space<vmem>>
    %dma_start3A_7 = arith.constant 0 : i32
    %dma_start3A_8 = tpu.memref_slice %arg5[%dma_start3A_7] : memref<128xi32, #tpu.memory_space<vmem>> -> memref<32xi32, #tpu.memory_space<vmem>>
    %dma_start3A_9 = arith.constant 0 : i32
    %dma_start3A_10 = arith.constant 0 : i32
    %dma_start3A_11 = tpu.memref_slice %arg2[%dma_start3A_9, %dma_start3A_10] : memref<100000x768xf32, #tpu.memory_space<hbm>> -> memref<100000x768xf32, #tpu.memory_space<hbm>>
    tpu.enqueue_indirect_dma source(%dma_start3A_11 : memref<100000x768xf32, #tpu.memory_space<hbm>>) target(%dma_start3A_6 : memref<32x768xf32, #tpu.memory_space<vmem>>) offsets(%dma_start3A_8 : memref<32xi32, #tpu.memory_space<vmem>>) semaphore(%arg7 : memref<!tpu.dma_semaphore, #tpu.memory_space<semaphore_mem>>)
    %dma_start3A_12 = arith.constant 1 : i32
    %dma_start3A_13 = arith.constant 0 : i32
    %dma_start3A_14 = arith.constant 0 : i32
    %dma_start3A_15 = tpu.memref_slice %arg6[%dma_start3A_12, %dma_start3A_13, %dma_start3A_14] : memref<2x32x768xf32, #tpu.memory_space<vmem>> -> memref<1x32x768xf32, #tpu.memory_space<vmem>>
    %dma_start3A_16 = tpu.memref_squeeze %dma_start3A_15 : memref<1x32x768xf32, #tpu.memory_space<vmem>> -> memref<32x768xf32, #tpu.memory_space<vmem>>
    %dma_start3A_17 = arith.constant 32 : i32
    %dma_start3A_18 = tpu.memref_slice %arg5[%dma_start3A_17] : memref<128xi32, #tpu.memory_space<vmem>> -> memref<32xi32, #tpu.memory_space<vmem>>
    %dma_start3A_19 = arith.constant 0 : i32
    %dma_start3A_20 = arith.constant 0 : i32
    %dma_start3A_21 = tpu.memref_slice %arg2[%dma_start3A_19, %dma_start3A_20] : memref<100000x768xf32, #tpu.memory_space<hbm>> -> memref<100000x768xf32, #tpu.memory_space<hbm>>
    tpu.enqueue_indirect_dma source(%dma_start3A_21 : memref<100000x768xf32, #tpu.memory_space<hbm>>) target(%dma_start3A_16 : memref<32x768xf32, #tpu.memory_space<vmem>>) offsets(%dma_start3A_18 : memref<32xi32, #tpu.memory_space<vmem>>) semaphore(%arg8 : memref<!tpu.dma_semaphore, #tpu.memory_space<semaphore_mem>>)
    %dma_wait3A = arith.constant 0 : i32
    %dma_wait3A_22 = arith.constant 0 : i32
    %dma_wait3A_23 = arith.constant 0 : i32
    %dma_wait3A_24 = tpu.memref_slice %arg6[%dma_wait3A, %dma_wait3A_22, %dma_wait3A_23] : memref<2x32x768xf32, #tpu.memory_space<vmem>> -> memref<1x32x768xf32, #tpu.memory_space<vmem>>
    %dma_wait3A_25 = tpu.memref_squeeze %dma_wait3A_24 : memref<1x32x768xf32, #tpu.memory_space<vmem>> -> memref<32x768xf32, #tpu.memory_space<vmem>>
    %dma_wait3A_26 = arith.constant 0 : i32
    %dma_wait3A_27 = tpu.memref_slice %arg5[%dma_wait3A_26] : memref<128xi32, #tpu.memory_space<vmem>> -> memref<32xi32, #tpu.memory_space<vmem>>
    %dma_wait3A_28 = arith.constant 0 : i32
    %dma_wait3A_29 = arith.constant 0 : i32
    %dma_wait3A_30 = tpu.memref_slice %arg2[%dma_wait3A_28, %dma_wait3A_29] : memref<100000x768xf32, #tpu.memory_space<hbm>> -> memref<100000x768xf32, #tpu.memory_space<hbm>>
    tpu.wait_indirect_dma semaphore(%arg7 : memref<!tpu.dma_semaphore, #tpu.memory_space<semaphore_mem>>) src(%dma_wait3A_30 : memref<100000x768xf32, #tpu.memory_space<hbm>>) dst(%dma_wait3A_25 : memref<32x768xf32, #tpu.memory_space<vmem>>)
    %add3A_31 = arith.constant 0 : i32
    %add3A_32 = arith.addi %mul3A_2, %add3A_31 : i32
    %dma_start3A_33 = arith.constant 0 : i32
    %dma_start3A_34 = arith.constant 0 : i32
    %dma_start3A_35 = arith.constant 0 : i32
    %dma_start3A_36 = tpu.memref_slice %arg6[%dma_start3A_33, %dma_start3A_34, %dma_start3A_35] : memref<2x32x768xf32, #tpu.memory_space<vmem>> -> memref<1x32x768xf32, #tpu.memory_space<vmem>>
    %dma_start3A_37 = tpu.memref_squeeze %dma_start3A_36 : memref<1x32x768xf32, #tpu.memory_space<vmem>> -> memref<32x768xf32, #tpu.memory_space<vmem>>
    %dma_start3A_38 = arith.constant 0 : i32
    %dma_start3A_39 = tpu.memref_slice %arg4[%add3A_32, %dma_start3A_38] : memref<4096x768xf32, #tpu.memory_space<hbm>> -> memref<32x768xf32, #tpu.memory_space<hbm>>
    %dma_start3A_40 = arith.constant 0 : i32
    %dma_start3A_41 = tpu.memref_slice %arg4[%add3A_32, %dma_start3A_40] : memref<4096x768xf32, #tpu.memory_space<hbm>> -> memref<32x768xf32, #tpu.memory_space<hbm>>
    %dma_start3A_42 = arith.constant 0 : i32
    %dma_start3A_43 = arith.constant 0 : i32
    %dma_start3A_44 = tpu.memref_slice %arg6[%dma_start3A_33, %dma_start3A_42, %dma_start3A_43] : memref<2x32x768xf32, #tpu.memory_space<vmem>> -> memref<1x32x768xf32, #tpu.memory_space<vmem>>
    %dma_start3A_45 = tpu.memref_squeeze %dma_start3A_44 : memref<1x32x768xf32, #tpu.memory_space<vmem>> -> memref<32x768xf32, #tpu.memory_space<vmem>>
    tpu.enqueue_dma source(%dma_start3A_45 : memref<32x768xf32, #tpu.memory_space<vmem>>) target(%dma_start3A_41 : memref<32x768xf32, #tpu.memory_space<hbm>>) target_semaphore(%arg9 : memref<!tpu.dma_semaphore, #tpu.memory_space<semaphore_mem>>)
    %dma_wait3A_46 = arith.constant 0 : i32
    %dma_wait3A_47 = arith.constant 0 : i32
    %dma_wait3A_48 = arith.constant 0 : i32
    %dma_wait3A_49 = tpu.memref_slice %arg6[%dma_wait3A_46, %dma_wait3A_47, %dma_wait3A_48] : memref<2x32x768xf32, #tpu.memory_space<vmem>> -> memref<1x32x768xf32, #tpu.memory_space<vmem>>
    %dma_wait3A_50 = tpu.memref_squeeze %dma_wait3A_49 : memref<1x32x768xf32, #tpu.memory_space<vmem>> -> memref<32x768xf32, #tpu.memory_space<vmem>>
    %dma_wait3A_51 = arith.constant 0 : i32
    %dma_wait3A_52 = tpu.memref_slice %arg4[%add3A_32, %dma_wait3A_51] : memref<4096x768xf32, #tpu.memory_space<hbm>> -> memref<32x768xf32, #tpu.memory_space<hbm>>
    %dma_wait3A_53 = arith.constant 0 : i32
    %dma_wait3A_54 = tpu.memref_slice %arg4[%add3A_32, %dma_wait3A_53] : memref<4096x768xf32, #tpu.memory_space<hbm>> -> memref<32x768xf32, #tpu.memory_space<hbm>>
    %dma_wait3A_55 = arith.constant 0 : i32
    %dma_wait3A_56 = arith.constant 0 : i32
    %dma_wait3A_57 = tpu.memref_slice %arg6[%dma_wait3A_46, %dma_wait3A_55, %dma_wait3A_56] : memref<2x32x768xf32, #tpu.memory_space<vmem>> -> memref<1x32x768xf32, #tpu.memory_space<vmem>>
    %dma_wait3A_58 = tpu.memref_squeeze %dma_wait3A_57 : memref<1x32x768xf32, #tpu.memory_space<vmem>> -> memref<32x768xf32, #tpu.memory_space<vmem>>
    tpu.wait_dma2 semaphore(%arg9 : memref<!tpu.dma_semaphore, #tpu.memory_space<semaphore_mem>>) src(%dma_wait3A_58 : memref<32x768xf32, #tpu.memory_space<vmem>>) dst(%dma_wait3A_54 : memref<32x768xf32, #tpu.memory_space<hbm>>)
    %dma_start3A_59 = arith.constant 0 : i32
    %dma_start3A_60 = arith.constant 0 : i32
    %dma_start3A_61 = arith.constant 0 : i32
    %dma_start3A_62 = tpu.memref_slice %arg6[%dma_start3A_59, %dma_start3A_60, %dma_start3A_61] : memref<2x32x768xf32, #tpu.memory_space<vmem>> -> memref<1x32x768xf32, #tpu.memory_space<vmem>>
    %dma_start3A_63 = tpu.memref_squeeze %dma_start3A_62 : memref<1x32x768xf32, #tpu.memory_space<vmem>> -> memref<32x768xf32, #tpu.memory_space<vmem>>
    %dma_start3A_64 = arith.constant 64 : i32
    %dma_start3A_65 = tpu.memref_slice %arg5[%dma_start3A_64] : memref<128xi32, #tpu.memory_space<vmem>> -> memref<32xi32, #tpu.memory_space<vmem>>
    %dma_start3A_66 = arith.constant 0 : i32
    %dma_start3A_67 = arith.constant 0 : i32
    %dma_start3A_68 = tpu.memref_slice %arg2[%dma_start3A_66, %dma_start3A_67] : memref<100000x768xf32, #tpu.memory_space<hbm>> -> memref<100000x768xf32, #tpu.memory_space<hbm>>
    tpu.enqueue_indirect_dma source(%dma_start3A_68 : memref<100000x768xf32, #tpu.memory_space<hbm>>) target(%dma_start3A_63 : memref<32x768xf32, #tpu.memory_space<vmem>>) offsets(%dma_start3A_65 : memref<32xi32, #tpu.memory_space<vmem>>) semaphore(%arg7 : memref<!tpu.dma_semaphore, #tpu.memory_space<semaphore_mem>>)
    %dma_wait3A_69 = arith.constant 1 : i32
    %dma_wait3A_70 = arith.constant 0 : i32
    %dma_wait3A_71 = arith.constant 0 : i32
    %dma_wait3A_72 = tpu.memref_slice %arg6[%dma_wait3A_69, %dma_wait3A_70, %dma_wait3A_71] : memref<2x32x768xf32, #tpu.memory_space<vmem>> -> memref<1x32x768xf32, #tpu.memory_space<vmem>>
    %dma_wait3A_73 = tpu.memref_squeeze %dma_wait3A_72 : memref<1x32x768xf32, #tpu.memory_space<vmem>> -> memref<32x768xf32, #tpu.memory_space<vmem>>
    %dma_wait3A_74 = arith.constant 32 : i32
    %dma_wait3A_75 = tpu.memref_slice %arg5[%dma_wait3A_74] : memref<128xi32, #tpu.memory_space<vmem>> -> memref<32xi32, #tpu.memory_space<vmem>>
    %dma_wait3A_76 = arith.constant 0 : i32
    %dma_wait3A_77 = arith.constant 0 : i32
    %dma_wait3A_78 = tpu.memref_slice %arg2[%dma_wait3A_76, %dma_wait3A_77] : memref<100000x768xf32, #tpu.memory_space<hbm>> -> memref<100000x768xf32, #tpu.memory_space<hbm>>
    tpu.wait_indirect_dma semaphore(%arg8 : memref<!tpu.dma_semaphore, #tpu.memory_space<semaphore_mem>>) src(%dma_wait3A_78 : memref<100000x768xf32, #tpu.memory_space<hbm>>) dst(%dma_wait3A_73 : memref<32x768xf32, #tpu.memory_space<vmem>>)
    %add3A_79 = arith.constant 32 : i32
    %add3A_80 = arith.addi %mul3A_2, %add3A_79 : i32
    %dma_start3A_81 = arith.constant 1 : i32
    %dma_start3A_82 = arith.constant 0 : i32
    %dma_start3A_83 = arith.constant 0 : i32
    %dma_start3A_84 = tpu.memref_slice %arg6[%dma_start3A_81, %dma_start3A_82, %dma_start3A_83] : memref<2x32x768xf32, #tpu.memory_space<vmem>> -> memref<1x32x768xf32, #tpu.memory_space<vmem>>
    %dma_start3A_85 = tpu.memref_squeeze %dma_start3A_84 : memref<1x32x768xf32, #tpu.memory_space<vmem>> -> memref<32x768xf32, #tpu.memory_space<vmem>>
    %dma_start3A_86 = arith.constant 0 : i32
    %dma_start3A_87 = tpu.memref_slice %arg4[%add3A_80, %dma_start3A_86] : memref<4096x768xf32, #tpu.memory_space<hbm>> -> memref<32x768xf32, #tpu.memory_space<hbm>>
    %dma_start3A_88 = arith.constant 0 : i32
    %dma_start3A_89 = tpu.memref_slice %arg4[%add3A_80, %dma_start3A_88] : memref<4096x768xf32, #tpu.memory_space<hbm>> -> memref<32x768xf32, #tpu.memory_space<hbm>>
    %dma_start3A_90 = arith.constant 0 : i32
    %dma_start3A_91 = arith.constant 0 : i32
    %dma_start3A_92 = tpu.memref_slice %arg6[%dma_start3A_81, %dma_start3A_90, %dma_start3A_91] : memref<2x32x768xf32, #tpu.memory_space<vmem>> -> memref<1x32x768xf32, #tpu.memory_space<vmem>>
    %dma_start3A_93 = tpu.memref_squeeze %dma_start3A_92 : memref<1x32x768xf32, #tpu.memory_space<vmem>> -> memref<32x768xf32, #tpu.memory_space<vmem>>
    tpu.enqueue_dma source(%dma_start3A_93 : memref<32x768xf32, #tpu.memory_space<vmem>>) target(%dma_start3A_89 : memref<32x768xf32, #tpu.memory_space<hbm>>) target_semaphore(%arg10 : memref<!tpu.dma_semaphore, #tpu.memory_space<semaphore_mem>>)
    %dma_wait3A_94 = arith.constant 1 : i32
    %dma_wait3A_95 = arith.constant 0 : i32
    %dma_wait3A_96 = arith.constant 0 : i32
    %dma_wait3A_97 = tpu.memref_slice %arg6[%dma_wait3A_94, %dma_wait3A_95, %dma_wait3A_96] : memref<2x32x768xf32, #tpu.memory_space<vmem>> -> memref<1x32x768xf32, #tpu.memory_space<vmem>>
    %dma_wait3A_98 = tpu.memref_squeeze %dma_wait3A_97 : memref<1x32x768xf32, #tpu.memory_space<vmem>> -> memref<32x768xf32, #tpu.memory_space<vmem>>
    %dma_wait3A_99 = arith.constant 0 : i32
    %dma_wait3A_100 = tpu.memref_slice %arg4[%add3A_80, %dma_wait3A_99] : memref<4096x768xf32, #tpu.memory_space<hbm>> -> memref<32x768xf32, #tpu.memory_space<hbm>>
    %dma_wait3A_101 = arith.constant 0 : i32
    %dma_wait3A_102 = tpu.memref_slice %arg4[%add3A_80, %dma_wait3A_101] : memref<4096x768xf32, #tpu.memory_space<hbm>> -> memref<32x768xf32, #tpu.memory_space<hbm>>
    %dma_wait3A_103 = arith.constant 0 : i32
    %dma_wait3A_104 = arith.constant 0 : i32
    %dma_wait3A_105 = tpu.memref_slice %arg6[%dma_wait3A_94, %dma_wait3A_103, %dma_wait3A_104] : memref<2x32x768xf32, #tpu.memory_space<vmem>> -> memref<1x32x768xf32, #tpu.memory_space<vmem>>
    %dma_wait3A_106 = tpu.memref_squeeze %dma_wait3A_105 : memref<1x32x768xf32, #tpu.memory_space<vmem>> -> memref<32x768xf32, #tpu.memory_space<vmem>>
    tpu.wait_dma2 semaphore(%arg10 : memref<!tpu.dma_semaphore, #tpu.memory_space<semaphore_mem>>) src(%dma_wait3A_106 : memref<32x768xf32, #tpu.memory_space<vmem>>) dst(%dma_wait3A_102 : memref<32x768xf32, #tpu.memory_space<hbm>>)
    %dma_start3A_107 = arith.constant 1 : i32
    %dma_start3A_108 = arith.constant 0 : i32
    %dma_start3A_109 = arith.constant 0 : i32
    %dma_start3A_110 = tpu.memref_slice %arg6[%dma_start3A_107, %dma_start3A_108, %dma_start3A_109] : memref<2x32x768xf32, #tpu.memory_space<vmem>> -> memref<1x32x768xf32, #tpu.memory_space<vmem>>
    %dma_start3A_111 = tpu.memref_squeeze %dma_start3A_110 : memref<1x32x768xf32, #tpu.memory_space<vmem>> -> memref<32x768xf32, #tpu.memory_space<vmem>>
    %dma_start3A_112 = arith.constant 96 : i32
    %dma_start3A_113 = tpu.memref_slice %arg5[%dma_start3A_112] : memref<128xi32, #tpu.memory_space<vmem>> -> memref<32xi32, #tpu.memory_space<vmem>>
    %dma_start3A_114 = arith.constant 0 : i32
    %dma_start3A_115 = arith.constant 0 : i32
    %dma_start3A_116 = tpu.memref_slice %arg2[%dma_start3A_114, %dma_start3A_115] : memref<100000x768xf32, #tpu.memory_space<hbm>> -> memref<100000x768xf32, #tpu.memory_space<hbm>>
    tpu.enqueue_indirect_dma source(%dma_start3A_116 : memref<100000x768xf32, #tpu.memory_space<hbm>>) target(%dma_start3A_111 : memref<32x768xf32, #tpu.memory_space<vmem>>) offsets(%dma_start3A_113 : memref<32xi32, #tpu.memory_space<vmem>>) semaphore(%arg8 : memref<!tpu.dma_semaphore, #tpu.memory_space<semaphore_mem>>)
    %dma_wait3A_117 = arith.constant 0 : i32
    %dma_wait3A_118 = arith.constant 0 : i32
    %dma_wait3A_119 = arith.constant 0 : i32
    %dma_wait3A_120 = tpu.memref_slice %arg6[%dma_wait3A_117, %dma_wait3A_118, %dma_wait3A_119] : memref<2x32x768xf32, #tpu.memory_space<vmem>> -> memref<1x32x768xf32, #tpu.memory_space<vmem>>
    %dma_wait3A_121 = tpu.memref_squeeze %dma_wait3A_120 : memref<1x32x768xf32, #tpu.memory_space<vmem>> -> memref<32x768xf32, #tpu.memory_space<vmem>>
    %dma_wait3A_122 = arith.constant 64 : i32
    %dma_wait3A_123 = tpu.memref_slice %arg5[%dma_wait3A_122] : memref<128xi32, #tpu.memory_space<vmem>> -> memref<32xi32, #tpu.memory_space<vmem>>
    %dma_wait3A_124 = arith.constant 0 : i32
    %dma_wait3A_125 = arith.constant 0 : i32
    %dma_wait3A_126 = tpu.memref_slice %arg2[%dma_wait3A_124, %dma_wait3A_125] : memref<100000x768xf32, #tpu.memory_space<hbm>> -> memref<100000x768xf32, #tpu.memory_space<hbm>>
    tpu.wait_indirect_dma semaphore(%arg7 : memref<!tpu.dma_semaphore, #tpu.memory_space<semaphore_mem>>) src(%dma_wait3A_126 : memref<100000x768xf32, #tpu.memory_space<hbm>>) dst(%dma_wait3A_121 : memref<32x768xf32, #tpu.memory_space<vmem>>)
    %add3A_127 = arith.constant 64 : i32
    %add3A_128 = arith.addi %mul3A_2, %add3A_127 : i32
    %dma_start3A_129 = arith.constant 0 : i32
    %dma_start3A_130 = arith.constant 0 : i32
    %dma_start3A_131 = arith.constant 0 : i32
    %dma_start3A_132 = tpu.memref_slice %arg6[%dma_start3A_129, %dma_start3A_130, %dma_start3A_131] : memref<2x32x768xf32, #tpu.memory_space<vmem>> -> memref<1x32x768xf32, #tpu.memory_space<vmem>>
    %dma_start3A_133 = tpu.memref_squeeze %dma_start3A_132 : memref<1x32x768xf32, #tpu.memory_space<vmem>> -> memref<32x768xf32, #tpu.memory_space<vmem>>
    %dma_start3A_134 = arith.constant 0 : i32
    %dma_start3A_135 = tpu.memref_slice %arg4[%add3A_128, %dma_start3A_134] : memref<4096x768xf32, #tpu.memory_space<hbm>> -> memref<32x768xf32, #tpu.memory_space<hbm>>
    %dma_start3A_136 = arith.constant 0 : i32
    %dma_start3A_137 = tpu.memref_slice %arg4[%add3A_128, %dma_start3A_136] : memref<4096x768xf32, #tpu.memory_space<hbm>> -> memref<32x768xf32, #tpu.memory_space<hbm>>
    %dma_start3A_138 = arith.constant 0 : i32
    %dma_start3A_139 = arith.constant 0 : i32
    %dma_start3A_140 = tpu.memref_slice %arg6[%dma_start3A_129, %dma_start3A_138, %dma_start3A_139] : memref<2x32x768xf32, #tpu.memory_space<vmem>> -> memref<1x32x768xf32, #tpu.memory_space<vmem>>
    %dma_start3A_141 = tpu.memref_squeeze %dma_start3A_140 : memref<1x32x768xf32, #tpu.memory_space<vmem>> -> memref<32x768xf32, #tpu.memory_space<vmem>>
    tpu.enqueue_dma source(%dma_start3A_141 : memref<32x768xf32, #tpu.memory_space<vmem>>) target(%dma_start3A_137 : memref<32x768xf32, #tpu.memory_space<hbm>>) target_semaphore(%arg9 : memref<!tpu.dma_semaphore, #tpu.memory_space<semaphore_mem>>)
    %dma_wait3A_142 = arith.constant 1 : i32
    %dma_wait3A_143 = arith.constant 0 : i32
    %dma_wait3A_144 = arith.constant 0 : i32
    %dma_wait3A_145 = tpu.memref_slice %arg6[%dma_wait3A_142, %dma_wait3A_143, %dma_wait3A_144] : memref<2x32x768xf32, #tpu.memory_space<vmem>> -> memref<1x32x768xf32, #tpu.memory_space<vmem>>
    %dma_wait3A_146 = tpu.memref_squeeze %dma_wait3A_145 : memref<1x32x768xf32, #tpu.memory_space<vmem>> -> memref<32x768xf32, #tpu.memory_space<vmem>>
    %dma_wait3A_147 = arith.constant 96 : i32
    %dma_wait3A_148 = tpu.memref_slice %arg5[%dma_wait3A_147] : memref<128xi32, #tpu.memory_space<vmem>> -> memref<32xi32, #tpu.memory_space<vmem>>
    %dma_wait3A_149 = arith.constant 0 : i32
    %dma_wait3A_150 = arith.constant 0 : i32
    %dma_wait3A_151 = tpu.memref_slice %arg2[%dma_wait3A_149, %dma_wait3A_150] : memref<100000x768xf32, #tpu.memory_space<hbm>> -> memref<100000x768xf32, #tpu.memory_space<hbm>>
    tpu.wait_indirect_dma semaphore(%arg8 : memref<!tpu.dma_semaphore, #tpu.memory_space<semaphore_mem>>) src(%dma_wait3A_151 : memref<100000x768xf32, #tpu.memory_space<hbm>>) dst(%dma_wait3A_146 : memref<32x768xf32, #tpu.memory_space<vmem>>)
    %add3A_152 = arith.constant 96 : i32
    %add3A_153 = arith.addi %mul3A_2, %add3A_152 : i32
    %dma_start3A_154 = arith.constant 1 : i32
    %dma_start3A_155 = arith.constant 0 : i32
    %dma_start3A_156 = arith.constant 0 : i32
    %dma_start3A_157 = tpu.memref_slice %arg6[%dma_start3A_154, %dma_start3A_155, %dma_start3A_156] : memref<2x32x768xf32, #tpu.memory_space<vmem>> -> memref<1x32x768xf32, #tpu.memory_space<vmem>>
    %dma_start3A_158 = tpu.memref_squeeze %dma_start3A_157 : memref<1x32x768xf32, #tpu.memory_space<vmem>> -> memref<32x768xf32, #tpu.memory_space<vmem>>
    %dma_start3A_159 = arith.constant 0 : i32
    %dma_start3A_160 = tpu.memref_slice %arg4[%add3A_153, %dma_start3A_159] : memref<4096x768xf32, #tpu.memory_space<hbm>> -> memref<32x768xf32, #tpu.memory_space<hbm>>
    %dma_start3A_161 = arith.constant 0 : i32
    %dma_start3A_162 = tpu.memref_slice %arg4[%add3A_153, %dma_start3A_161] : memref<4096x768xf32, #tpu.memory_space<hbm>> -> memref<32x768xf32, #tpu.memory_space<hbm>>
    %dma_start3A_163 = arith.constant 0 : i32
    %dma_start3A_164 = arith.constant 0 : i32
    %dma_start3A_165 = tpu.memref_slice %arg6[%dma_start3A_154, %dma_start3A_163, %dma_start3A_164] : memref<2x32x768xf32, #tpu.memory_space<vmem>> -> memref<1x32x768xf32, #tpu.memory_space<vmem>>
    %dma_start3A_166 = tpu.memref_squeeze %dma_start3A_165 : memref<1x32x768xf32, #tpu.memory_space<vmem>> -> memref<32x768xf32, #tpu.memory_space<vmem>>
    tpu.enqueue_dma source(%dma_start3A_166 : memref<32x768xf32, #tpu.memory_space<vmem>>) target(%dma_start3A_162 : memref<32x768xf32, #tpu.memory_space<hbm>>) target_semaphore(%arg10 : memref<!tpu.dma_semaphore, #tpu.memory_space<semaphore_mem>>)
    %dma_wait3A_167 = arith.constant 0 : i32
    %dma_wait3A_168 = arith.constant 0 : i32
    %dma_wait3A_169 = arith.constant 0 : i32
    %dma_wait3A_170 = tpu.memref_slice %arg6[%dma_wait3A_167, %dma_wait3A_168, %dma_wait3A_169] : memref<2x32x768xf32, #tpu.memory_space<vmem>> -> memref<1x32x768xf32, #tpu.memory_space<vmem>>
    %dma_wait3A_171 = tpu.memref_squeeze %dma_wait3A_170 : memref<1x32x768xf32, #tpu.memory_space<vmem>> -> memref<32x768xf32, #tpu.memory_space<vmem>>
    %dma_wait3A_172 = arith.constant 0 : i32
    %dma_wait3A_173 = tpu.memref_slice %arg4[%add3A_128, %dma_wait3A_172] : memref<4096x768xf32, #tpu.memory_space<hbm>> -> memref<32x768xf32, #tpu.memory_space<hbm>>
    %dma_wait3A_174 = arith.constant 0 : i32
    %dma_wait3A_175 = tpu.memref_slice %arg4[%add3A_128, %dma_wait3A_174] : memref<4096x768xf32, #tpu.memory_space<hbm>> -> memref<32x768xf32, #tpu.memory_space<hbm>>
    %dma_wait3A_176 = arith.constant 0 : i32
    %dma_wait3A_177 = arith.constant 0 : i32
    %dma_wait3A_178 = tpu.memref_slice %arg6[%dma_wait3A_167, %dma_wait3A_176, %dma_wait3A_177] : memref<2x32x768xf32, #tpu.memory_space<vmem>> -> memref<1x32x768xf32, #tpu.memory_space<vmem>>
    %dma_wait3A_179 = tpu.memref_squeeze %dma_wait3A_178 : memref<1x32x768xf32, #tpu.memory_space<vmem>> -> memref<32x768xf32, #tpu.memory_space<vmem>>
    tpu.wait_dma2 semaphore(%arg9 : memref<!tpu.dma_semaphore, #tpu.memory_space<semaphore_mem>>) src(%dma_wait3A_179 : memref<32x768xf32, #tpu.memory_space<vmem>>) dst(%dma_wait3A_175 : memref<32x768xf32, #tpu.memory_space<hbm>>)
    %dma_wait3A_180 = arith.constant 1 : i32
    %dma_wait3A_181 = arith.constant 0 : i32
    %dma_wait3A_182 = arith.constant 0 : i32
    %dma_wait3A_183 = tpu.memref_slice %arg6[%dma_wait3A_180, %dma_wait3A_181, %dma_wait3A_182] : memref<2x32x768xf32, #tpu.memory_space<vmem>> -> memref<1x32x768xf32, #tpu.memory_space<vmem>>
    %dma_wait3A_184 = tpu.memref_squeeze %dma_wait3A_183 : memref<1x32x768xf32, #tpu.memory_space<vmem>> -> memref<32x768xf32, #tpu.memory_space<vmem>>
    %dma_wait3A_185 = arith.constant 0 : i32
    %dma_wait3A_186 = tpu.memref_slice %arg4[%add3A_153, %dma_wait3A_185] : memref<4096x768xf32, #tpu.memory_space<hbm>> -> memref<32x768xf32, #tpu.memory_space<hbm>>
    %dma_wait3A_187 = arith.constant 0 : i32
    %dma_wait3A_188 = tpu.memref_slice %arg4[%add3A_153, %dma_wait3A_187] : memref<4096x768xf32, #tpu.memory_space<hbm>> -> memref<32x768xf32, #tpu.memory_space<hbm>>
    %dma_wait3A_189 = arith.constant 0 : i32
    %dma_wait3A_190 = arith.constant 0 : i32
    %dma_wait3A_191 = tpu.memref_slice %arg6[%dma_wait3A_180, %dma_wait3A_189, %dma_wait3A_190] : memref<2x32x768xf32, #tpu.memory_space<vmem>> -> memref<1x32x768xf32, #tpu.memory_space<vmem>>
    %dma_wait3A_192 = tpu.memref_squeeze %dma_wait3A_191 : memref<1x32x768xf32, #tpu.memory_space<vmem>> -> memref<32x768xf32, #tpu.memory_space<vmem>>
    tpu.wait_dma2 semaphore(%arg10 : memref<!tpu.dma_semaphore, #tpu.memory_space<semaphore_mem>>) src(%dma_wait3A_192 : memref<32x768xf32, #tpu.memory_space<vmem>>) dst(%dma_wait3A_188 : memref<32x768xf32, #tpu.memory_space<hbm>>)
    return
  }
}

module attributes {stable_mosaic.version = 14 : i64} {
  func.func @body(%arg0: i32, %arg1: i32, %arg2: memref<1024x768xf32, #tpu.memory_space<vmem>>, %arg3: memref<1024x768xf32, #tpu.memory_space<vmem>>, %arg4: memref<1024x1xbf16, #tpu.memory_space<vmem>>, %arg5: memref<2x768xf32, #tpu.memory_space<vmem>>, %arg6: memref<1x768xf32, #tpu.memory_space<vmem>>, %arg7: memref<1x768xf32, #tpu.memory_space<vmem>>, %arg8: memref<1024x768xf32, #tpu.memory_space<vmem>>) attributes {dimension_semantics = [#tpu.dimension_semantics<parallel>, #tpu.dimension_semantics<parallel>], iteration_bounds = array<i64: 2, 2>, scalar_prefetch = 0 : i64, scratch_operands = 0 : i64, tpu.core_type = #tpu.core_type<tc>, window_params = [{transform_indices = @transform_0, window_bounds = array<i64: 1024, 768>}, {transform_indices = @transform_1, window_bounds = array<i64: 1024, 768>}, {transform_indices = @transform_2, window_bounds = array<i64: 1024, 1>}, {pipeline_mode = #tpu.pipeline_mode<synchronous>, transform_indices = @transform_3, window_bounds = array<i64: 2, 768>}, {pipeline_mode = #tpu.pipeline_mode<synchronous>, transform_indices = @transform_4, window_bounds = array<i64: 1, 768>}, {pipeline_mode = #tpu.pipeline_mode<synchronous>, transform_indices = @transform_5, window_bounds = array<i64: 1, 768>}, {transform_indices = @transform_6, window_bounds = array<i64: 1024, 768>}]} {
    %get3A = arith.constant 0 : index
    %get3A_0 = arith.constant 0 : index
    %get3A_1 = vector.load %arg2[%get3A, %get3A_0] : memref<1024x768xf32, #tpu.memory_space<vmem>>, vector<1024x768xf32>
    %get3A_2 = arith.constant 0 : index
    %get3A_3 = arith.constant 0 : index
    %get3A_4 = vector.load %arg4[%get3A_2, %get3A_3] : memref<1024x1xbf16, #tpu.memory_space<vmem>>, vector<1024x1xbf16>
    %convert_element_type3A = arith.extf %get3A_4 : vector<1024x1xbf16> to vector<1024x1xf32>
    %get3A_5 = arith.constant 0 : index
    %get3A_6 = arith.constant 0 : index
    %get3A_7 = vector.load %arg5[%get3A_5, %get3A_6] : memref<2x768xf32, #tpu.memory_space<vmem>>, vector<2x768xf32>
    %slice3A = vector.extract_strided_slice %get3A_7 {offsets = [0, 0], sizes = [1, 768], strides = [1, 1]} : vector<2x768xf32> to vector<1x768xf32>
    %slice3A_8 = vector.extract_strided_slice %get3A_7 {offsets = [1, 0], sizes = [1, 768], strides = [1, 1]} : vector<2x768xf32> to vector<1x768xf32>
    %get3A_9 = arith.constant 0 : index
    %get3A_10 = arith.constant 0 : index
    %get3A_11 = vector.load %arg3[%get3A_9, %get3A_10] : memref<1024x768xf32, #tpu.memory_space<vmem>>, vector<1024x768xf32>
    %add3A = arith.addf %get3A_1, %get3A_11 : vector<1024x768xf32>
    %add3A_12 = vector.broadcast %slice3A : vector<1x768xf32> to vector<1024x768xf32>
    %add3A_13 = arith.addf %add3A, %add3A_12 : vector<1024x768xf32>
    %sub3A = arith.subf %slice3A_8, %slice3A : vector<1x768xf32>
    %mul3A = vector.broadcast %convert_element_type3A : vector<1024x1xf32> to vector<1024x768xf32>
    %mul3A_14 = vector.broadcast %sub3A : vector<1x768xf32> to vector<1024x768xf32>
    %mul3A_15 = arith.mulf %mul3A, %mul3A_14 : vector<1024x768xf32>
    %add3A_16 = arith.addf %add3A_13, %mul3A_15 : vector<1024x768xf32>
    %convert_element_type3A_17 = arith.truncf %add3A_16 : vector<1024x768xf32> to vector<1024x768xbf16>
    %broadcast_in_dim3A = arith.constant 1.000000e+00 : bf16
    %broadcast_in_dim3A_18 = vector.broadcast %broadcast_in_dim3A : bf16 to vector<768x128xbf16>
    %dot_general3A = arith.constant dense<0.000000e+00> : vector<1024x128xf32>
    %dot_general3A_19 = tpu.matmul %convert_element_type3A_17, %broadcast_in_dim3A_18, %dot_general3A {dimension_numbers = #tpu.dot_dimension_numbers<[1], [0], [0], [1], [0, 0, 1, 1], [], []>, transpose_lhs_hint = false} : vector<1024x768xbf16>, vector<768x128xbf16>, vector<1024x128xf32> -> vector<1024x128xf32>
    %mul3A_20 = arith.mulf %convert_element_type3A_17, %convert_element_type3A_17 : vector<1024x768xbf16>
    %dot_general3A_21 = arith.constant dense<0.000000e+00> : vector<1024x128xf32>
    %dot_general3A_22 = tpu.matmul %mul3A_20, %broadcast_in_dim3A_18, %dot_general3A_21 {dimension_numbers = #tpu.dot_dimension_numbers<[1], [0], [0], [1], [0, 0, 1, 1], [], []>, transpose_lhs_hint = false} : vector<1024x768xbf16>, vector<768x128xbf16>, vector<1024x128xf32> -> vector<1024x128xf32>
    %slice3A_23 = vector.extract_strided_slice %dot_general3A_19 {offsets = [0, 0], sizes = [1024, 1], strides = [1, 1]} : vector<1024x128xf32> to vector<1024x1xf32>
    %mul3A_24 = arith.constant 0.00130208337 : f32
    %mul3A_25 = vector.broadcast %mul3A_24 : f32 to vector<1024x1xf32>
    %mul3A_26 = arith.mulf %slice3A_23, %mul3A_25 : vector<1024x1xf32>
    %slice3A_27 = vector.extract_strided_slice %dot_general3A_22 {offsets = [0, 0], sizes = [1024, 1], strides = [1, 1]} : vector<1024x128xf32> to vector<1024x1xf32>
    %mul3A_28 = arith.constant 0.00130208337 : f32
    %mul3A_29 = vector.broadcast %mul3A_28 : f32 to vector<1024x1xf32>
    %mul3A_30 = arith.mulf %slice3A_27, %mul3A_29 : vector<1024x1xf32>
    %mul3A_31 = arith.mulf %mul3A_26, %mul3A_26 : vector<1024x1xf32>
    %sub3A_32 = arith.subf %mul3A_30, %mul3A_31 : vector<1024x1xf32>
    %add3A_33 = arith.constant 9.99999996E-13 : f32
    %add3A_34 = vector.broadcast %add3A_33 : f32 to vector<1024x1xf32>
    %add3A_35 = arith.addf %sub3A_32, %add3A_34 : vector<1024x1xf32>
    %rsqrt3A = math.rsqrt %add3A_35 : vector<1024x1xf32>
    %sub3A_36 = vector.broadcast %mul3A_26 : vector<1024x1xf32> to vector<1024x768xf32>
    %sub3A_37 = arith.subf %add3A_16, %sub3A_36 : vector<1024x768xf32>
    %mul3A_38 = vector.broadcast %rsqrt3A : vector<1024x1xf32> to vector<1024x768xf32>
    %mul3A_39 = arith.mulf %sub3A_37, %mul3A_38 : vector<1024x768xf32>
    %get3A_40 = arith.constant 0 : index
    %get3A_41 = arith.constant 0 : index
    %get3A_42 = vector.load %arg6[%get3A_40, %get3A_41] : memref<1x768xf32, #tpu.memory_space<vmem>>, vector<1x768xf32>
    %mul3A_43 = vector.broadcast %get3A_42 : vector<1x768xf32> to vector<1024x768xf32>
    %mul3A_44 = arith.mulf %mul3A_39, %mul3A_43 : vector<1024x768xf32>
    %get3A_45 = arith.constant 0 : index
    %get3A_46 = arith.constant 0 : index
    %get3A_47 = vector.load %arg7[%get3A_45, %get3A_46] : memref<1x768xf32, #tpu.memory_space<vmem>>, vector<1x768xf32>
    %add3A_48 = vector.broadcast %get3A_47 : vector<1x768xf32> to vector<1024x768xf32>
    %add3A_49 = arith.addf %mul3A_44, %add3A_48 : vector<1024x768xf32>
    %swap3A = arith.constant 0 : index
    %swap3A_50 = arith.constant 0 : index
    %swap3A_51 = vector.load %arg8[%swap3A, %swap3A_50] : memref<1024x768xf32, #tpu.memory_space<vmem>>, vector<1024x768xf32>
    tpu.vector_store %arg8[%swap3A, %swap3A_50], %add3A_49 {strides = array<i32>} : memref<1024x768xf32, #tpu.memory_space<vmem>>, vector<1024x768xf32>,
    return
  }
  func.func @transform_0(%arg0: i32, %arg1: i32) -> (i32, i32) {
    %mul3A = arith.constant 2 : i32
    %mul3A_0 = arith.muli %arg1, %mul3A : i32
    %add3A = arith.addi %mul3A_0, %arg0 : i32
    %c0_i32 = arith.constant 0 : i32
    %c0_i32_1 = arith.constant 0 : i32
    return %add3A, %c0_i32 : i32, i32
  }
  func.func @transform_1(%arg0: i32, %arg1: i32) -> (i32, i32) {
    %c0_i32 = arith.constant 0 : i32
    %c0_i32_0 = arith.constant 0 : i32
    return %arg0, %c0_i32 : i32, i32
  }
  func.func @transform_2(%arg0: i32, %arg1: i32) -> (i32, i32) {
    %mul3A = arith.constant 2 : i32
    %mul3A_0 = arith.muli %arg1, %mul3A : i32
    %add3A = arith.constant 0 : i32
    %add3A_1 = arith.addi %add3A, %mul3A_0 : i32
    %add3A_2 = arith.addi %add3A_1, %arg0 : i32
    %c0_i32 = arith.constant 0 : i32
    %c0_i32_3 = arith.constant 0 : i32
    return %add3A_2, %c0_i32 : i32, i32
  }
  func.func @transform_3(%arg0: i32, %arg1: i32) -> (i32, i32) {
    %c0_i32 = arith.constant 0 : i32
    %c0_i32_0 = arith.constant 0 : i32
    %c0_i32_1 = arith.constant 0 : i32
    return %c0_i32, %c0_i32_0 : i32, i32
  }
  func.func @transform_4(%arg0: i32, %arg1: i32) -> (i32, i32) {
    %c0_i32 = arith.constant 0 : i32
    %c0_i32_0 = arith.constant 0 : i32
    %c0_i32_1 = arith.constant 0 : i32
    return %c0_i32, %c0_i32_0 : i32, i32
  }
  func.func @transform_5(%arg0: i32, %arg1: i32) -> (i32, i32) {
    %c0_i32 = arith.constant 0 : i32
    %c0_i32_0 = arith.constant 0 : i32
    %c0_i32_1 = arith.constant 0 : i32
    return %c0_i32, %c0_i32_0 : i32, i32
  }
  func.func @transform_6(%arg0: i32, %arg1: i32) -> (i32, i32) {
    %mul3A = arith.constant 2 : i32
    %mul3A_0 = arith.muli %arg1, %mul3A : i32
    %add3A = arith.constant 0 : i32
    %add3A_1 = arith.addi %add3A, %mul3A_0 : i32
    %add3A_2 = arith.addi %add3A_1, %arg0 : i32
    %c0_i32 = arith.constant 0 : i32
    %c0_i32_3 = arith.constant 0 : i32
    return %add3A_2, %c0_i32 : i32, i32
  }
}

module attributes {stable_mosaic.version = 14 : i64} {
  func.func @body(%arg0: i32, %arg1: i32, %arg2: memref<1024x768xf32, #tpu.memory_space<vmem>>, %arg3: memref<1024x768xf32, #tpu.memory_space<vmem>>, %arg4: memref<1024x1xbf16, #tpu.memory_space<vmem>>, %arg5: memref<2x768xf32, #tpu.memory_space<vmem>>, %arg6: memref<1x768xf32, #tpu.memory_space<vmem>>, %arg7: memref<1x768xf32, #tpu.memory_space<vmem>>, %arg8: memref<8192x768xf32, #tpu.memory_space<any>>, %arg9: memref<1024x768xf32, #tpu.memory_space<vmem>>) attributes {dimension_semantics = [#tpu.dimension_semantics<parallel>, #tpu.dimension_semantics<parallel>], iteration_bounds = array<i64: 2, 2>, scalar_prefetch = 0 : i64, scratch_operands = 0 : i64, tpu.core_type = #tpu.core_type<tc>, window_params = [{transform_indices = @transform_0, window_bounds = array<i64: 1024, 768>}, {transform_indices = @transform_1, window_bounds = array<i64: 1024, 768>}, {transform_indices = @transform_2, window_bounds = array<i64: 1024, 1>}, {pipeline_mode = #tpu.pipeline_mode<synchronous>, transform_indices = @transform_3, window_bounds = array<i64: 2, 768>}, {pipeline_mode = #tpu.pipeline_mode<synchronous>, transform_indices = @transform_4, window_bounds = array<i64: 1, 768>}, {pipeline_mode = #tpu.pipeline_mode<synchronous>, transform_indices = @transform_5, window_bounds = array<i64: 1, 768>}, {}, {transform_indices = @transform_7, window_bounds = array<i64: 1024, 768>}]} {
    %get3A = arith.constant 0 : index
    %get3A_0 = arith.constant 0 : index
    %get3A_1 = vector.load %arg2[%get3A, %get3A_0] : memref<1024x768xf32, #tpu.memory_space<vmem>>, vector<1024x768xf32>
    %get3A_2 = arith.constant 0 : index
    %get3A_3 = arith.constant 0 : index
    %get3A_4 = vector.load %arg4[%get3A_2, %get3A_3] : memref<1024x1xbf16, #tpu.memory_space<vmem>>, vector<1024x1xbf16>
    %convert_element_type3A = arith.extf %get3A_4 : vector<1024x1xbf16> to vector<1024x1xf32>
    %get3A_5 = arith.constant 0 : index
    %get3A_6 = arith.constant 0 : index
    %get3A_7 = vector.load %arg5[%get3A_5, %get3A_6] : memref<2x768xf32, #tpu.memory_space<vmem>>, vector<2x768xf32>
    %slice3A = vector.extract_strided_slice %get3A_7 {offsets = [0, 0], sizes = [1, 768], strides = [1, 1]} : vector<2x768xf32> to vector<1x768xf32>
    %slice3A_8 = vector.extract_strided_slice %get3A_7 {offsets = [1, 0], sizes = [1, 768], strides = [1, 1]} : vector<2x768xf32> to vector<1x768xf32>
    %get3A_9 = arith.constant 0 : index
    %get3A_10 = arith.constant 0 : index
    %get3A_11 = vector.load %arg3[%get3A_9, %get3A_10] : memref<1024x768xf32, #tpu.memory_space<vmem>>, vector<1024x768xf32>
    %add3A = arith.addf %get3A_1, %get3A_11 : vector<1024x768xf32>
    %add3A_12 = vector.broadcast %slice3A : vector<1x768xf32> to vector<1024x768xf32>
    %add3A_13 = arith.addf %add3A, %add3A_12 : vector<1024x768xf32>
    %sub3A = arith.subf %slice3A_8, %slice3A : vector<1x768xf32>
    %mul3A = vector.broadcast %convert_element_type3A : vector<1024x1xf32> to vector<1024x768xf32>
    %mul3A_14 = vector.broadcast %sub3A : vector<1x768xf32> to vector<1024x768xf32>
    %mul3A_15 = arith.mulf %mul3A, %mul3A_14 : vector<1024x768xf32>
    %add3A_16 = arith.addf %add3A_13, %mul3A_15 : vector<1024x768xf32>
    %convert_element_type3A_17 = arith.truncf %add3A_16 : vector<1024x768xf32> to vector<1024x768xbf16>
    %broadcast_in_dim3A = arith.constant 1.000000e+00 : bf16
    %broadcast_in_dim3A_18 = vector.broadcast %broadcast_in_dim3A : bf16 to vector<768x128xbf16>
    %dot_general3A = arith.constant dense<0.000000e+00> : vector<1024x128xf32>
    %dot_general3A_19 = tpu.matmul %convert_element_type3A_17, %broadcast_in_dim3A_18, %dot_general3A {dimension_numbers = #tpu.dot_dimension_numbers<[1], [0], [0], [1], [0, 0, 1, 1], [], []>, transpose_lhs_hint = false} : vector<1024x768xbf16>, vector<768x128xbf16>, vector<1024x128xf32> -> vector<1024x128xf32>
    %mul3A_20 = arith.mulf %convert_element_type3A_17, %convert_element_type3A_17 : vector<1024x768xbf16>
    %dot_general3A_21 = arith.constant dense<0.000000e+00> : vector<1024x128xf32>
    %dot_general3A_22 = tpu.matmul %mul3A_20, %broadcast_in_dim3A_18, %dot_general3A_21 {dimension_numbers = #tpu.dot_dimension_numbers<[1], [0], [0], [1], [0, 0, 1, 1], [], []>, transpose_lhs_hint = false} : vector<1024x768xbf16>, vector<768x128xbf16>, vector<1024x128xf32> -> vector<1024x128xf32>
    %slice3A_23 = vector.extract_strided_slice %dot_general3A_19 {offsets = [0, 0], sizes = [1024, 1], strides = [1, 1]} : vector<1024x128xf32> to vector<1024x1xf32>
    %mul3A_24 = arith.constant 0.00130208337 : f32
    %mul3A_25 = vector.broadcast %mul3A_24 : f32 to vector<1024x1xf32>
    %mul3A_26 = arith.mulf %slice3A_23, %mul3A_25 : vector<1024x1xf32>
    %slice3A_27 = vector.extract_strided_slice %dot_general3A_22 {offsets = [0, 0], sizes = [1024, 1], strides = [1, 1]} : vector<1024x128xf32> to vector<1024x1xf32>
    %mul3A_28 = arith.constant 0.00130208337 : f32
    %mul3A_29 = vector.broadcast %mul3A_28 : f32 to vector<1024x1xf32>
    %mul3A_30 = arith.mulf %slice3A_27, %mul3A_29 : vector<1024x1xf32>
    %mul3A_31 = arith.mulf %mul3A_26, %mul3A_26 : vector<1024x1xf32>
    %sub3A_32 = arith.subf %mul3A_30, %mul3A_31 : vector<1024x1xf32>
    %add3A_33 = arith.constant 9.99999996E-13 : f32
    %add3A_34 = vector.broadcast %add3A_33 : f32 to vector<1024x1xf32>
    %add3A_35 = arith.addf %sub3A_32, %add3A_34 : vector<1024x1xf32>
    %rsqrt3A = math.rsqrt %add3A_35 : vector<1024x1xf32>
    %sub3A_36 = vector.broadcast %mul3A_26 : vector<1024x1xf32> to vector<1024x768xf32>
    %sub3A_37 = arith.subf %add3A_16, %sub3A_36 : vector<1024x768xf32>
    %mul3A_38 = vector.broadcast %rsqrt3A : vector<1024x1xf32> to vector<1024x768xf32>
    %mul3A_39 = arith.mulf %sub3A_37, %mul3A_38 : vector<1024x768xf32>
    %get3A_40 = arith.constant 0 : index
    %get3A_41 = arith.constant 0 : index
    %get3A_42 = vector.load %arg6[%get3A_40, %get3A_41] : memref<1x768xf32, #tpu.memory_space<vmem>>, vector<1x768xf32>
    %mul3A_43 = vector.broadcast %get3A_42 : vector<1x768xf32> to vector<1024x768xf32>
    %mul3A_44 = arith.mulf %mul3A_39, %mul3A_43 : vector<1024x768xf32>
    %get3A_45 = arith.constant 0 : index
    %get3A_46 = arith.constant 0 : index
    %get3A_47 = vector.load %arg7[%get3A_45, %get3A_46] : memref<1x768xf32, #tpu.memory_space<vmem>>, vector<1x768xf32>
    %add3A_48 = vector.broadcast %get3A_47 : vector<1x768xf32> to vector<1024x768xf32>
    %add3A_49 = arith.addf %mul3A_44, %add3A_48 : vector<1024x768xf32>
    %swap3A = arith.constant 0 : index
    %swap3A_50 = arith.constant 0 : index
    %swap3A_51 = vector.load %arg9[%swap3A, %swap3A_50] : memref<1024x768xf32, #tpu.memory_space<vmem>>, vector<1024x768xf32>
    tpu.vector_store %arg9[%swap3A, %swap3A_50], %add3A_49 {strides = array<i32>} : memref<1024x768xf32, #tpu.memory_space<vmem>>, vector<1024x768xf32>,
    return
  }
  func.func @transform_0(%arg0: i32, %arg1: i32) -> (i32, i32) {
    %mul3A = arith.constant 2 : i32
    %mul3A_0 = arith.muli %arg1, %mul3A : i32
    %add3A = arith.addi %mul3A_0, %arg0 : i32
    %c0_i32 = arith.constant 0 : i32
    %c0_i32_1 = arith.constant 0 : i32
    return %add3A, %c0_i32 : i32, i32
  }
  func.func @transform_1(%arg0: i32, %arg1: i32) -> (i32, i32) {
    %c0_i32 = arith.constant 0 : i32
    %c0_i32_0 = arith.constant 0 : i32
    return %arg0, %c0_i32 : i32, i32
  }
  func.func @transform_2(%arg0: i32, %arg1: i32) -> (i32, i32) {
    %mul3A = arith.constant 2 : i32
    %mul3A_0 = arith.muli %arg1, %mul3A : i32
    %add3A = arith.constant 4 : i32
    %add3A_1 = arith.addi %add3A, %mul3A_0 : i32
    %add3A_2 = arith.addi %add3A_1, %arg0 : i32
    %c0_i32 = arith.constant 0 : i32
    %c0_i32_3 = arith.constant 0 : i32
    return %add3A_2, %c0_i32 : i32, i32
  }
  func.func @transform_3(%arg0: i32, %arg1: i32) -> (i32, i32) {
    %c0_i32 = arith.constant 0 : i32
    %c0_i32_0 = arith.constant 0 : i32
    %c0_i32_1 = arith.constant 0 : i32
    return %c0_i32, %c0_i32_0 : i32, i32
  }
  func.func @transform_4(%arg0: i32, %arg1: i32) -> (i32, i32) {
    %c0_i32 = arith.constant 0 : i32
    %c0_i32_0 = arith.constant 0 : i32
    %c0_i32_1 = arith.constant 0 : i32
    return %c0_i32, %c0_i32_0 : i32, i32
  }
  func.func @transform_5(%arg0: i32, %arg1: i32) -> (i32, i32) {
    %c0_i32 = arith.constant 0 : i32
    %c0_i32_0 = arith.constant 0 : i32
    %c0_i32_1 = arith.constant 0 : i32
    return %c0_i32, %c0_i32_0 : i32, i32
  }
  func.func @transform_7(%arg0: i32, %arg1: i32) -> (i32, i32) {
    %mul3A = arith.constant 2 : i32
    %mul3A_0 = arith.muli %arg1, %mul3A : i32
    %add3A = arith.constant 4 : i32
    %add3A_1 = arith.addi %add3A, %mul3A_0 : i32
    %add3A_2 = arith.addi %add3A_1, %arg0 : i32
    %c0_i32 = arith.constant 0 : i32
    %c0_i32_3 = arith.constant 0 : i32
    return %add3A_2, %c0_i32 : i32, i32
  }
}

</mosaic_0001>

<sc_bundles>
// kernel: kernel.6.cloned.1.call-start
scs
__scs_entry_jumppad:
0x0: {  	(pc) =	sbr.rel $0x88, $3  }
0x1: {  	(tag) =	ssettag $0x0;
	lr =	simm.s32 $0x1  }
0x2: {  	[smem:$0x3F9A] =	sst lr;
	_ =	strace $0xD0000000  }
0x3: {  	_ = 	snop  }
0x4: {  	_ = 	snop  }
0x5: {  	_ = 	snop  }
0x6: {  	_ = 	snop  }
0x7: {  	_ = 	snop  }
__scs_overlays_trampoline_lowered:
0x8: {  	[smem:$0x3FA9] =	sst s0  }
0x9: {  	[smem:$0x3FAA] =	sst s1  }
0xa: {  	[smem:$0x3FAB] =	sst s2  }
0xb: {  	[smem:$0x3FAC] =	sst s3  }
0xc: {  	[smem:$0x3FAD] =	sst s4  }
0xd: {  	[smem:$0x3FAE] =	sst s5  }
0xe: {  	[smem:$0x3FAF] =	sst s6  }
0xf: {  	[smem:$0x3FB0] =	sst s7  }
0x10: {  	[smem:$0x3FB1] =	sst s8  }
0x11: {  	[smem:$0x3FB2] =	sst s9;
	s0 =	simm.s32 @!p0 $0x0  }
0x12: {  	s1 =	sld [smem:$0x3F98];
	s0 =	simm.s32 @p0 $0x1  }
0x13: {  	[smem:$0x3FB3] =	sst s0;
	s0 =	simm.s32 @!p1 $0x0  }
0x14: {  	s2 =	sld [smem:$0x3F97];
	s0 =	simm.s32 @p1 $0x1  }
0x15: {  	[smem:$0x3FB4] =	sst s0;
	s0 =	simm.s32 @!p2 $0x0  }
0x16: {  	s3 =	sld [smem:$0x3FDB];
	s0 =	simm.s32 @p2 $0x1  }
0x17: {  	s4 =	simm.s32 $0x1BF5;
	[smem:$0x3FB6] =	sst s0  }
0x18: {  	s0 =	sld [smem:$0x3F99];
	_ =	swait.ge [sflag:s4], $0x0  }
0x19: {  	s7 =	sld [smem:$0x3F9A]  }
0x1a: {  	s8 =	sadd.s32 $0xFFFFE003, lr  }
0x1b: {  	s9 =	sadd.s32 $0xFFFFFEF7, lr;
	s5 =	simm.s32 $0xFFFFFFFF;
	p2 =	slt.u32 s8, $0xFFFFF086  }
0x1c: {  	p1 =	slt.u32 s9, $0xF7A;
	s5 =	simm.s32 @!p2 $0x0  }
0x1d: {  	s5 =	simm.s32 @p1 $0x1;
	p0 =	seq.s32 s7, s2  }
0x1e: {  	s7 =	smul.u32 @!p0 $0xF7A, s2;
	p2 =	seq.s32 @!p0 s5, $0x0  }
0x1f: {  	s9 =	smul.u32 $0xF7A, s1;
	s8 =	simm.s32 @!p0 $0x1BF5;
	p2 =	por !p2, p0  }
0x20: {  	[sflag:s8] =	ssyncset.s32 @!p0 $0xFFFFF086;
	s6 =	sadd.s32 @!p0 s3, s7;
	s7 =	simm.s32 @!p0 $0x108  }
0x21: {  	s3 =	sadd.s32 s3, s9;
	s6 =	sadd.s32 @!p0 $0x88, s6;
	s7 =	simm.s32 @p2 $0x1082  }
0x22: {  	[simem:s7], [sflag:s8] =	dma.local @!p0 [hbm:s6], $0xF7A  }
0x23: {  	s9 =	sor.u32 $0xD0000000, s2;
	s6 =	simm.s32 $0x108;
	_ =	swait.ge @!p0 [sflag:s8], $0x0  }
0x24: {  	s3 =	sadd.s32 $0x88, s3;
	s6 =	simm.s32 @!p1 $0x1082;
	[sflag:s4] =	ssyncset.s32 $0xFFFFF086  }
0x25: {  	[simem:s6], [sflag:s4] =	dma.local [hbm:s3], $0xF7A  }
0x26: {  	[smem:$0x3F9A] =	sst s1;
	(tag) =	ssettag s2;
	_ =	strace s9  }
0x27: {  	s1 =	sld [smem:$0x3FAA]  }
0x28: {  	s2 =	sld [smem:$0x3FAB]  }
0x29: {  	s4 =	sld [smem:$0x3FAD]  }
0x2a: {  	p0 =	seq.s32 s5, $0x0;
	s5 =	sld [smem:$0x3FAE]  }
0x2b: {  	s6 =	sld [smem:$0x3FAF]  }
0x2c: {  	s7 =	sld [smem:$0x3FB0]  }
0x2d: {  	s3 =	simm.s32 $0x108;
	s8 =	sld [smem:$0x3FB1]  }
0x2e: {  	s3 =	simm.s32 @!p0 $0x1082;
	s9 =	sld [smem:$0x3FB2]  }
0x2f: {  	lr =	sadd.s32 s0, s3;
	s0 =	sld [smem:$0x3FA9]  }
0x30: {  	s3 =	sld [smem:$0x3FAC]  }
0x31: {  	[smem:$0x3FB5] =	sst s10  }
0x32: {  	s10 =	sld [smem:$0x3FB3];
	_ =	sdelay $0x3  }
0x33: {  	p0 =	seq.s32 s10, $0x1;
	s10 =	sld [smem:$0x3FB5];
	_ =	sdelay $0x3  }
0x34: {  	[smem:$0x3FB5] =	sst s10  }
0x35: {  	s10 =	sld [smem:$0x3FB4];
	_ =	sdelay $0x3  }
0x36: {  	p1 =	seq.s32 s10, $0x1;
	s10 =	sld [smem:$0x3FB5];
	_ =	sdelay $0x3  }
0x37: {  	[smem:$0x3FB5] =	sst s10  }
0x38: {  	s10 =	sld [smem:$0x3FB6]  }
0x39: {  	_ = 	snop;
	(pc) =	sbr.ind lr, $3  }
0x3a: {  	_ = 	snop  }
0x3b: {  	_ = 	snop  }
0x3c: {  	p2 =	seq.s32 s10, $0x1;
	s10 =	sld [smem:$0x3FB5]  }
0x3d: {  	_ =	shalt  }
0x3e: {  	_ =	shalt  }
0x3f: {  	_ =	shalt  }
0x40: {  	_ =	shalt  }
0x41: {  	_ =	shalt  }
0x42: {  	_ =	shalt  }
0x43: {  	_ =	shalt  }
0x44: {  	_ =	shalt  }
0x45: {  	_ =	shalt  }
0x46: {  	_ =	shalt  }
0x47: {  	_ =	shalt  }
0x48: {  	_ =	shalt  }
0x49: {  	_ =	shalt  }
0x4a: {  	_ =	shalt  }
0x4b: {  	_ =	shalt  }
0x4c: {  	_ =	shalt  }
0x4d: {  	_ =	shalt  }
0x4e: {  	_ =	shalt  }
0x4f: {  	_ =	shalt  }
0x50: {  	_ =	shalt  }
0x51: {  	_ =	shalt  }
0x52: {  	_ =	shalt  }
0x53: {  	_ =	shalt  }
0x54: {  	_ =	shalt  }
0x55: {  	_ =	shalt  }
0x56: {  	_ =	shalt  }
0x57: {  	_ =	shalt  }
0x58: {  	_ =	shalt  }
0x59: {  	_ =	shalt  }
0x5a: {  	_ =	shalt  }
0x5b: {  	_ =	shalt  }
0x5c: {  	_ =	shalt  }
0x5d: {  	_ =	shalt  }
0x5e: {  	_ =	shalt  }
0x5f: {  	_ =	shalt  }
0x60: {  	_ =	shalt  }
0x61: {  	_ =	shalt  }
0x62: {  	_ =	shalt  }
0x63: {  	_ =	shalt  }
0x64: {  	_ =	shalt  }
0x65: {  	_ =	shalt  }
0x66: {  	_ =	shalt  }
0x67: {  	_ =	shalt  }
0x68: {  	_ =	shalt  }
0x69: {  	_ =	shalt  }
0x6a: {  	_ =	shalt  }
0x6b: {  	_ =	shalt  }
0x6c: {  	_ =	shalt  }
0x6d: {  	_ =	shalt  }
0x6e: {  	_ =	shalt  }
0x6f: {  	_ =	shalt  }
0x70: {  	_ =	shalt  }
0x71: {  	_ =	shalt  }
0x72: {  	_ =	shalt  }
0x73: {  	_ =	shalt  }
0x74: {  	_ =	shalt  }
0x75: {  	_ =	shalt  }
0x76: {  	_ =	shalt  }
0x77: {  	_ =	shalt  }
0x78: {  	_ =	shalt  }
0x79: {  	_ =	shalt  }
0x7a: {  	_ =	shalt  }
0x7b: {  	_ =	shalt  }
0x7c: {  	_ =	shalt  }
0x7d: {  	_ =	shalt  }
0x7e: {  	_ =	shalt  }
0x7f: {  	_ =	shalt  }
0x80: {  	_ =	shalt  }
0x81: {  	_ =	shalt  }
0x82: {  	_ =	shalt  }
0x83: {  	_ =	shalt  }
0x84: {  	_ =	shalt  }
0x85: {  	_ =	shalt  }
0x86: {  	_ =	shalt  }
0x87: {  	_ =	shalt  }
.Lfunc_end0:
.L_simem_size_0:
called_computation_lowered:
.L_overlay_start_0:
0x88: {  	s2 =	sld [smem:$0x3FD9]  }
0x89: {  	s3 =	sld [smem:$0x3FFE];
	_ =	sdelay $0x1  }
0x8a: {  	s1 =	srdreg.scid  }
0x8b: {  	s0 =	sand.u32 $0x1, s1  }
0x8c: {  	s17 =	sshll.u32 s0, $0xA;
	s2 =	sadd.s32 s3, s2  }
0x8d: {  	s2 =	sadd.s32 s2, s17  }
0x8e: {  	[smem:$0x3FC1] =	sst s2  }
0x8f: {  	_ = 	snop  }
0x90: {  	s2 =	sld [smem:$0x3FC7]  }
0x91: {  	s18 =	sld [smem:$0x3FD0];
	(tm) =	ssettm $0x1  }
0x92: {  	s4 =	sld [smem:$0x3FFB];
	_ =	sdelay $0x3  }
0x93: {  	_ =	strace s4  }
0x94: {  	s4 =	sld [smem:$0x3FFC];
	_ =	sdelay $0x3  }
0x95: {  	_ =	strace s4  }
0x96: {  	s4 =	sld [smem:$0x3FFD];
	_ =	sdelay $0x3  }
0x97: {  	_ =	strace s4  }
0x98: {  	_ =	strace $0x8FFFFFFF  }
0x99: {  	s19 =	sld [smem:$0x3FDB];
	_ =	sdelay $0x1  }
0x9a: {  	s5 =	simm.s32 $_scs_section_size  }
0x9b: {  	s6 =	simm.s32 $_size__tile_overlayer_lowered;
	s7 =	simm.s32 $_tile_overlayer_lowered  }
0x9c: {  	s22 =	simm.s32 $0x1BFF;
	s21 =	sshll.u32 s7, $0x1;
	s4 =	sadd.s32 s5, s19  }
0x9d: {  	s8 =	simm.s32 $0x0;
	s20 =	sshll.u32 s6, $0x1;
	s6 =	sadd.s32 s21, s4  }
0x9e: {  	[timem:s8], [sflag:s22] =	dma.local [hbm:s6], s20  }
0x9f: {  	_ =	swait.ge [sflag:s22], s20  }
0xa0: {  	s5 =	ssub.s32 $0x0, s20;
	[sflag:s22] =	ssyncset.done $0x0  }
0xa1: {  	[sflag:s22] =	ssyncadd.s32 s5;
	_ =	sdelay $0x1  }
0xa2: {  	s23 =	simm.s32 $0x1B8B  }
0xa3: {  	_ =	swait.ge [sflag:s23], $0x1  }
0xa4: {  	[sflag:s23] =	ssyncset.done $0x0  }
0xa5: {  	s25 =	simm.s32 $0x1B8E;
	s24 =	sld [smem:$0x3FFE];
	[sflag:s23] =	ssyncadd.s32 $0xFFFFFFFF  }
0xa6: {  	s26 =	simm.s32 $execute0_lowered;
	[smem:$0x3FD2] =	sst s25  }
0xa7: {  	s6 =	sshll.u32 s26, $0x1;
	_ =	strace $0x80000046;
	[dreg:$0x1] =	wrdreg $0xFFFFFFFF  }
0xa8: {  	s28 =	simm.s32 $_size_execute0_lowered;
	s4 =	sadd.s32 s4, s6;
	[dreg:$0x0] =	wrdreg $0x0  }
0xa9: {  	s6 =	sshll.u32 s28, $0x1;
	[dreg:$0x2] =	wrdreg s4  }
0xaa: {  	[dreg:$0x3] =	wrdreg s6  }
0xab: {  	[dreg:$0x4] =	wrdreg $0xC0  }
0xac: {  	_ =	task [dreg:s8], $0x5FFFF  }
0xad: {  	[dreg:$0x1] =	wrdreg $0xFFFFFFFF  }
0xae: {  	[dreg:$0x0] =	wrdreg $0x60  }
0xaf: {  	[dreg:$0x2] =	wrdreg s2  }
0xb0: {  	[dreg:$0x3] =	wrdreg s24  }
0xb1: {  	[dreg:$0x4] =	wrdreg s18  }
0xb2: {  	[dreg:$0x5] =	wrdreg $0x9  }
0xb3: {  	_ =	task.clear_ibuf [dreg:s8], $0x6FFFF;
	_ =	strace $0x90000046  }
0xb4: {  	s29 =	simm.s32 $0x9;
	_ =	strace $0x80000048  }
0xb5: {  	_ =	swait.ge [sflag:s29], $0x1  }
0xb6: {  	[sflag:s29] =	ssyncadd.s32 $0xFFFFFFFF  }
0xb7: {  	_ =	strace $0x90000048  }
0xb8: {  	_ =	sfence  }
0xb9: {  	s30 =	sld [smem:$0x0];
	_ =	sdelay $0x2  }
0xba: {  	s31 =	sshll.u32 s1, $0xD;
	s1 =	sshrl.u32 s1, $0x2  }
0xbb: {  	s3 =	sand.u32 $0x4000, s31;
	s1 =	sadd.s32 s1, s30  }
0xbc: {  	s0 =	sor.u32 s3, s0;
	s1 =	sshll.u32 s1, $0x11  }
0xbd: {  	s0 =	sor.u32 s1, s0  }
0xbe: {  	s0 =	sadd.s32 $0x8F2B, s0  }
0xbf: {  	[sflag:s0] =	ssyncadd.remote.s32 $0x1  }
0xc0: {  	_ =	sfence.sel $0xFFFF  }
0xc1: {  	[dreg:$0x0] =	wrdreg $0xFFFFFFFF;
	(pc) =	sbr.abs _section_cstart, $3  }
0xc2: {  	[dreg:$0x1] =	wrdreg $0xFFFFFFFF  }
0xc3: {  	_ =	task.clear_ibuf [dreg:s8], $0x2FFFF;
	_ =	strace $0x9FFFFFFF  }
0xc4: {  	(tm) =	ssettm $0x7FFFFFFF  }
0xc5: {  	_ =	shalt  }
tec
execute0_lowered:
.L_overlay_start_1:
0x0: {  	(tag) =	ssettag $0x1  }
0x1: {  	s0 =	srdreg.scid;
	s1 =	rddreg [dreg:$0x0]  }
0x2: {  	s3 =	stileid.u32;
	s2 =	rddreg [dreg:$0x1]  }
0x3: {  	s5 =	rddreg [dreg:$0x2];
	s10 =	simm.s32 $0x3;
	s11 =	simm.s32 $0x2  }
0x4: {  	s12 =	simm.s32 $0x4;
	s21 =	simm.s32 $0x80;
	s14 =	simm.s32 $0x880  }
0x5: {  	s15 =	simm.s32 $0x1080;
	s16 =	simm.s32 $0x1880;
	s17 =	simm.s32 $0x2080  }
0x6: {  	s18 =	simm.s32 $0x2880;
	s19 =	simm.s32 $0x3080;
	s20 =	simm.s32 $0x3880  }
0x7: {  	s28 =	simm.s32 $0x7080;
	s29 =	simm.s32 $0x7880;
	s0 =	sand.u32 $0x1, s0  }
0x8: {  	s30 =	simm.s32 $0x8080;
	s3 =	sshll.u32 s3, $0x5;
	s4 =	sshll.u32 s0, $0x4  }
0x9: {  	s31 =	simm.s32 $0x8880;
	s9 =	simm.s32 $0xA880;
	s4 =	sor.u32 s4, s3  }
0xa: {  	s0 =	ssub.s32 $0x2, s0;
	s3 =	simm.s32 $0x0;
	s6 =	smul.u32 $0x300, s4  }
0xb: {  	s24 =	sshrl.u32 s0, $0x1;
	[smem:$0x7FF] =	sst s3;
	s7 =	smul.u32 $0x1800, s4  }
0xc: {  	s2 =	sadd.s32 s4, s2;
	s0 =	ssub.s32 s0, s24;
	s24 =	simm.s32 $0x5080  }
0xd: {  	_ =	strace $0x80000047;
	s2 =	sadd.s32 $0x1800, s2;
	s6 =	sadd.s32 s5, s6  }
0xe: {  	s22 =	sshrl.u32 s7, $0x3;
	[dreg:$0x4] =	wrdreg s2;
	s7 =	smax.u32 s0, $0x1  }
0xf: {  	[dreg:$0x8] =	wrdreg s6;
	s23 =	sadd.s32 $0xC00, s6;
	s4 =	sadd.s32 s5, s22  }
0x10: {  	s5 =	sadd.s32 $0x100, s1;
	s6 =	sadd.s32 $0x200, s1;
	s22 =	simm.s32 $0x4080  }
0x11: {  	v2 =	vlaneseq.u32;
	[dreg:$0x5] =	wrdreg s23;
	s25 =	sadd.s32 $0x1800, s4;
	s26 =	sadd.s32 $0x2400, s4  }
0x12: {  	vm0 =	vmmov $0xffff;
	v1 =	vshrl.u32 v2, $0x3;
	s4 =	simm.s32 $0x1;
	s23 =	simm.s32 $0x4880;
	[dreg:$0x6] =	wrdreg s25  }
0x13: {  	v0 =	vand.u32 $0x7, v2;
	v2 =	vor.u32 $0x8, v2;
	v1 =	vmul.u32 $0x8, v1;
	[dreg:$0x7] =	wrdreg s26;
	s25 =	simm.s32 $0x5880;
	s26 =	simm.s32 $0x6880  }
.LBB2_1:
0x14: {  	s13 =	rddreg [dreg:$0x4];
	s0 =	simm.s32 $0x5  }
0x15: {  	[tilespmem:s3], [sflag:$0x5] =	stream.linear.gather [hbm4b:s13+s3], $0x80, $0x38;
	[tilespmem:$0xC080] =	vst v63  }
0x16: {  	_ =	swait.ge [sflag:s0], $0x80  }
0x17: {  	[sflag:s0] =	ssyncset.done $0x0  }
0x18: {  	[sflag:s0] =	ssyncadd.s32 $0xFFFFFF80  }
0x19: {  	v3 =	vld [tilespmem:$0x0];
	_ =	sdelay $0x4  }
0x1a: {  	v4 =	vshrl.u32 v3, $0x3  }
0x1b: {  	v4 =	vmul.u32 $0x30, v4  }
0x1c: {  	v3 =	vand.u32 $0x7, v3  }
0x1d: {  	v3 =	vor.u32 v3, v4  }
0x1e: {  	v4 =	vperm.xlane v3, v0;
	_ =	sdelay $0x1  }
0x1f: {  	v4 =	vadd.s32 v1, v4;
	_ =	sdelay $0x3  }
0x20: {  	v3 =	vperm.xlane v3, v2  }
0x21: {  	[tilespmem:s21], [sflag:$0x1] =	stream.indirect_vreg.gather [hbm4b:s1+s3], $0x80, v4, vm0, $0xb8;
	[tilespmem:$0xC080] =	vst v63  }
0x22: {  	v3 =	vadd.s32 v1, v3  }
0x23: {  	[tilespmem:s14], [sflag:$0x1] =	stream.indirect_vreg.gather [hbm4b:s5+s3], $0x80, v4, vm0, $0xb8;
	[tilespmem:$0xC080] =	vst v63  }
0x24: {  	_ = 	snop  }
0x25: {  	[tilespmem:s15], [sflag:$0x1] =	stream.indirect_vreg.gather [hbm4b:s6+s3], $0x80, v4, vm0, $0xb8;
	[tilespmem:$0xC080] =	vst v63  }
0x26: {  	_ = 	snop  }
0x27: {  	[tilespmem:s16], [sflag:$0x1] =	stream.indirect_vreg.gather [hbm4b:s1+s3], $0x80, v3, vm0, $0xb8;
	[tilespmem:$0xC080] =	vst v63  }
0x28: {  	_ = 	snop  }
0x29: {  	[tilespmem:s17], [sflag:$0x1] =	stream.indirect_vreg.gather [hbm4b:s5+s3], $0x80, v3, vm0, $0xb8;
	[tilespmem:$0xC080] =	vst v63  }
0x2a: {  	_ = 	snop  }
0x2b: {  	[tilespmem:s18], [sflag:$0x1] =	stream.indirect_vreg.gather [hbm4b:s6+s3], $0x80, v3, vm0, $0xb8;
	[tilespmem:$0xC080] =	vst v63  }
0x2c: {  	v3 =	vld [tilespmem:$0x10];
	_ =	sdelay $0x4  }
0x2d: {  	v57 =	vshrl.u32 v3, $0x3  }
0x2e: {  	v4 =	vmul.u32 $0x30, v57  }
0x2f: {  	v3 =	vand.u32 $0x7, v3  }
0x30: {  	v3 =	vor.u32 v3, v4  }
0x31: {  	v4 =	vperm.xlane v3, v0;
	_ =	sdelay $0x1  }
0x32: {  	v4 =	vadd.s32 v1, v4;
	_ =	sdelay $0x3  }
0x33: {  	v3 =	vperm.xlane v3, v2  }
0x34: {  	[tilespmem:s19], [sflag:$0x1] =	stream.indirect_vreg.gather [hbm4b:s1+s3], $0x80, v4, vm0, $0xb8;
	[tilespmem:$0xC080] =	vst v63  }
0x35: {  	v3 =	vadd.s32 v1, v3  }
0x36: {  	[tilespmem:s20], [sflag:$0x1] =	stream.indirect_vreg.gather [hbm4b:s5+s3], $0x80, v4, vm0, $0xb8;
	[tilespmem:$0xC080] =	vst v63  }
0x37: {  	_ = 	snop  }
0x38: {  	[tilespmem:s22], [sflag:$0x1] =	stream.indirect_vreg.gather [hbm4b:s6+s3], $0x80, v4, vm0, $0xb8;
	[tilespmem:$0xC080] =	vst v63  }
0x39: {  	_ = 	snop  }
0x3a: {  	[tilespmem:s23], [sflag:$0x1] =	stream.indirect_vreg.gather [hbm4b:s1+s3], $0x80, v3, vm0, $0xb8;
	[tilespmem:$0xC080] =	vst v63  }
0x3b: {  	_ = 	snop  }
0x3c: {  	[tilespmem:s24], [sflag:$0x1] =	stream.indirect_vreg.gather [hbm4b:s5+s3], $0x80, v3, vm0, $0xb8;
	[tilespmem:$0xC080] =	vst v63  }
0x3d: {  	_ = 	snop  }
0x3e: {  	[tilespmem:s25], [sflag:$0x1] =	stream.indirect_vreg.gather [hbm4b:s6+s3], $0x80, v3, vm0, $0xb8;
	[tilespmem:$0xC080] =	vst v63  }
0x3f: {  	v3 =	vld [tilespmem:$0x20];
	_ =	sdelay $0x4  }
0x40: {  	v58 =	vshrl.u32 v3, $0x3  }
0x41: {  	v4 =	vmul.u32 $0x30, v58  }
0x42: {  	v3 =	vand.u32 $0x7, v3  }
0x43: {  	v3 =	vor.u32 v3, v4  }
0x44: {  	v4 =	vperm.xlane v3, v0;
	_ =	sdelay $0x1  }
0x45: {  	v4 =	vadd.s32 v1, v4;
	_ =	sdelay $0x3  }
0x46: {  	s0 =	simm.s32 $0x6080;
	v3 =	vperm.xlane v3, v2  }
0x47: {  	[tilespmem:s0], [sflag:$0x2] =	stream.indirect_vreg.gather [hbm4b:s1+s3], $0x80, v4, vm0, $0xb8;
	[tilespmem:$0xC080] =	vst v63  }
0x48: {  	v3 =	vadd.s32 v1, v3  }
0x49: {  	[tilespmem:s26], [sflag:$0x2] =	stream.indirect_vreg.gather [hbm4b:s5+s3], $0x80, v4, vm0, $0xb8;
	[tilespmem:$0xC080] =	vst v63  }
0x4a: {  	_ = 	snop  }
0x4b: {  	[tilespmem:s28], [sflag:$0x2] =	stream.indirect_vreg.gather [hbm4b:s6+s3], $0x80, v4, vm0, $0xb8;
	[tilespmem:$0xC080] =	vst v63  }
0x4c: {  	_ = 	snop  }
0x4d: {  	[tilespmem:s29], [sflag:$0x2] =	stream.indirect_vreg.gather [hbm4b:s1+s3], $0x80, v3, vm0, $0xb8;
	[tilespmem:$0xC080] =	vst v63  }
0x4e: {  	_ = 	snop  }
0x4f: {  	[tilespmem:s30], [sflag:$0x2] =	stream.indirect_vreg.gather [hbm4b:s5+s3], $0x80, v3, vm0, $0xb8;
	[tilespmem:$0xC080] =	vst v63  }
0x50: {  	_ = 	snop  }
0x51: {  	[tilespmem:s31], [sflag:$0x2] =	stream.indirect_vreg.gather [hbm4b:s6+s3], $0x80, v3, vm0, $0xb8;
	[tilespmem:$0xC080] =	vst v63  }
0x52: {  	v3 =	vld [tilespmem:$0x30];
	_ =	sdelay $0x4  }
0x53: {  	v59 =	vshrl.u32 v3, $0x3  }
0x54: {  	v4 =	vmul.u32 $0x30, v59  }
0x55: {  	v3 =	vand.u32 $0x7, v3  }
0x56: {  	v3 =	vor.u32 v3, v4  }
0x57: {  	v4 =	vperm.xlane v3, v0;
	_ =	sdelay $0x1  }
0x58: {  	v4 =	vadd.s32 v1, v4;
	_ =	sdelay $0x3  }
0x59: {  	s2 =	simm.s32 $0x9080;
	v3 =	vperm.xlane v3, v2  }
0x5a: {  	[tilespmem:s2], [sflag:$0x2] =	stream.indirect_vreg.gather [hbm4b:s1+s3], $0x80, v4, vm0, $0xb8;
	[tilespmem:$0xC080] =	vst v63  }
0x5b: {  	s8 =	simm.s32 $0x9880;
	v3 =	vadd.s32 v1, v3  }
0x5c: {  	[tilespmem:s8], [sflag:$0x2] =	stream.indirect_vreg.gather [hbm4b:s5+s3], $0x80, v4, vm0, $0xb8;
	[tilespmem:$0xC080] =	vst v63  }
0x5d: {  	s8 =	simm.s32 $0xA080  }
0x5e: {  	[tilespmem:s8], [sflag:$0x2] =	stream.indirect_vreg.gather [hbm4b:s6+s3], $0x80, v4, vm0, $0xb8;
	[tilespmem:$0xC080] =	vst v63  }
0x5f: {  	_ = 	snop  }
0x60: {  	[tilespmem:s9], [sflag:$0x2] =	stream.indirect_vreg.gather [hbm4b:s1+s3], $0x80, v3, vm0, $0xb8;
	[tilespmem:$0xC080] =	vst v63  }
0x61: {  	s13 =	simm.s32 $0xB080  }
0x62: {  	[tilespmem:s13], [sflag:$0x2] =	stream.indirect_vreg.gather [hbm4b:s5+s3], $0x80, v3, vm0, $0xb8;
	[tilespmem:$0xC080] =	vst v63  }
0x63: {  	s13 =	simm.s32 $0xB880  }
0x64: {  	[tilespmem:s13], [sflag:$0x2] =	stream.indirect_vreg.gather [hbm4b:s6+s3], $0x80, v3, vm0, $0xb8;
	[tilespmem:$0xC080] =	vst v63  }
0x65: {  	_ =	swait.ge [sflag:s4], $0x6000  }
0x66: {  	[sflag:s4] =	ssyncset.done $0x0  }
0x67: {  	s13 =	rddreg [dreg:$0x8];
	[sflag:s4] =	ssyncadd.s32 $0xFFFFA000  }
0x68: {  	[hbm4b:s13+s3] =	stream.linear.scatter [tilespmem:s21], [sflag:$0x3], $0x6000, $0x38;
	[tilespmem:$0xC080] =	vst v63  }
0x69: {  	_ =	swait.ge [sflag:s10], $0x6000  }
0x6a: {  	[sflag:s10] =	ssyncset.done $0x0  }
0x6b: {  	[sflag:s10] =	ssyncadd.s32 $0xFFFFA000  }
0x6c: {  	v3 =	vld [tilespmem:$0x40];
	_ =	sdelay $0x4  }
0x6d: {  	v60 =	vshrl.u32 v3, $0x3  }
0x6e: {  	v4 =	vmul.u32 $0x30, v60  }
0x6f: {  	v3 =	vand.u32 $0x7, v3  }
0x70: {  	v3 =	vor.u32 v3, v4  }
0x71: {  	v4 =	vperm.xlane v3, v0;
	_ =	sdelay $0x1  }
0x72: {  	v4 =	vadd.s32 v1, v4;
	_ =	sdelay $0x3  }
0x73: {  	v3 =	vperm.xlane v3, v2  }
0x74: {  	[tilespmem:s21], [sflag:$0x1] =	stream.indirect_vreg.gather [hbm4b:s1+s3], $0x80, v4, vm0, $0xb8;
	[tilespmem:$0xC080] =	vst v63  }
0x75: {  	v3 =	vadd.s32 v1, v3  }
0x76: {  	[tilespmem:s14], [sflag:$0x1] =	stream.indirect_vreg.gather [hbm4b:s5+s3], $0x80, v4, vm0, $0xb8;
	[tilespmem:$0xC080] =	vst v63  }
0x77: {  	_ = 	snop  }
0x78: {  	[tilespmem:s15], [sflag:$0x1] =	stream.indirect_vreg.gather [hbm4b:s6+s3], $0x80, v4, vm0, $0xb8;
	[tilespmem:$0xC080] =	vst v63  }
0x79: {  	_ = 	snop  }
0x7a: {  	[tilespmem:s16], [sflag:$0x1] =	stream.indirect_vreg.gather [hbm4b:s1+s3], $0x80, v3, vm0, $0xb8;
	[tilespmem:$0xC080] =	vst v63  }
0x7b: {  	_ = 	snop  }
0x7c: {  	[tilespmem:s17], [sflag:$0x1] =	stream.indirect_vreg.gather [hbm4b:s5+s3], $0x80, v3, vm0, $0xb8;
	[tilespmem:$0xC080] =	vst v63  }
0x7d: {  	_ = 	snop  }
0x7e: {  	[tilespmem:s18], [sflag:$0x1] =	stream.indirect_vreg.gather [hbm4b:s6+s3], $0x80, v3, vm0, $0xb8;
	[tilespmem:$0xC080] =	vst v63  }
0x7f: {  	v3 =	vld [tilespmem:$0x50];
	_ =	sdelay $0x4  }
0x80: {  	v61 =	vshrl.u32 v3, $0x3  }
0x81: {  	v4 =	vmul.u32 $0x30, v61  }
0x82: {  	v3 =	vand.u32 $0x7, v3  }
0x83: {  	v3 =	vor.u32 v3, v4  }
0x84: {  	v4 =	vperm.xlane v3, v0;
	_ =	sdelay $0x1  }
0x85: {  	v4 =	vadd.s32 v1, v4;
	_ =	sdelay $0x3  }
0x86: {  	v3 =	vperm.xlane v3, v2  }
0x87: {  	[tilespmem:s19], [sflag:$0x1] =	stream.indirect_vreg.gather [hbm4b:s1+s3], $0x80, v4, vm0, $0xb8;
	[tilespmem:$0xC080] =	vst v63  }
0x88: {  	v3 =	vadd.s32 v1, v3  }
0x89: {  	[tilespmem:s20], [sflag:$0x1] =	stream.indirect_vreg.gather [hbm4b:s5+s3], $0x80, v4, vm0, $0xb8;
	[tilespmem:$0xC080] =	vst v63  }
0x8a: {  	_ = 	snop  }
0x8b: {  	[tilespmem:s22], [sflag:$0x1] =	stream.indirect_vreg.gather [hbm4b:s6+s3], $0x80, v4, vm0, $0xb8;
	[tilespmem:$0xC080] =	vst v63  }
0x8c: {  	_ = 	snop  }
0x8d: {  	[tilespmem:s23], [sflag:$0x1] =	stream.indirect_vreg.gather [hbm4b:s1+s3], $0x80, v3, vm0, $0xb8;
	[tilespmem:$0xC080] =	vst v63  }
0x8e: {  	_ = 	snop  }
0x8f: {  	[tilespmem:s24], [sflag:$0x1] =	stream.indirect_vreg.gather [hbm4b:s5+s3], $0x80, v3, vm0, $0xb8;
	[tilespmem:$0xC080] =	vst v63  }
0x90: {  	_ = 	snop  }
0x91: {  	[tilespmem:s25], [sflag:$0x1] =	stream.indirect_vreg.gather [hbm4b:s6+s3], $0x80, v3, vm0, $0xb8;
	[tilespmem:$0xC080] =	vst v63  }
0x92: {  	_ =	swait.ge [sflag:s11], $0x6000  }
0x93: {  	[sflag:s11] =	ssyncset.done $0x0  }
0x94: {  	s13 =	rddreg [dreg:$0x5];
	[sflag:s11] =	ssyncadd.s32 $0xFFFFA000  }
0x95: {  	[hbm4b:s13+s3] =	stream.linear.scatter [tilespmem:s0], [sflag:$0x4], $0x6000, $0x38;
	[tilespmem:$0xC080] =	vst v63  }
0x96: {  	_ =	swait.ge [sflag:s12], $0x6000  }
0x97: {  	[sflag:s12] =	ssyncset.done $0x0  }
0x98: {  	[sflag:s12] =	ssyncadd.s32 $0xFFFFA000  }
0x99: {  	v3 =	vld [tilespmem:$0x60];
	_ =	sdelay $0x4  }
0x9a: {  	v62 =	vshrl.u32 v3, $0x3  }
0x9b: {  	v4 =	vmul.u32 $0x30, v62  }
0x9c: {  	v3 =	vand.u32 $0x7, v3  }
0x9d: {  	v3 =	vor.u32 v3, v4  }
0x9e: {  	v4 =	vperm.xlane v3, v0;
	_ =	sdelay $0x1  }
0x9f: {  	v4 =	vadd.s32 v1, v4;
	_ =	sdelay $0x3  }
0xa0: {  	v3 =	vperm.xlane v3, v2  }
0xa1: {  	[tilespmem:s0], [sflag:$0x2] =	stream.indirect_vreg.gather [hbm4b:s1+s3], $0x80, v4, vm0, $0xb8;
	[tilespmem:$0xC080] =	vst v63  }
0xa2: {  	v3 =	vadd.s32 v1, v3  }
0xa3: {  	[tilespmem:s26], [sflag:$0x2] =	stream.indirect_vreg.gather [hbm4b:s5+s3], $0x80, v4, vm0, $0xb8;
	[tilespmem:$0xC080] =	vst v63  }
0xa4: {  	_ = 	snop  }
0xa5: {  	[tilespmem:s28], [sflag:$0x2] =	stream.indirect_vreg.gather [hbm4b:s6+s3], $0x80, v4, vm0, $0xb8;
	[tilespmem:$0xC080] =	vst v63  }
0xa6: {  	_ = 	snop  }
0xa7: {  	[tilespmem:s29], [sflag:$0x2] =	stream.indirect_vreg.gather [hbm4b:s1+s3], $0x80, v3, vm0, $0xb8;
	[tilespmem:$0xC080] =	vst v63  }
0xa8: {  	_ = 	snop  }
0xa9: {  	[tilespmem:s30], [sflag:$0x2] =	stream.indirect_vreg.gather [hbm4b:s5+s3], $0x80, v3, vm0, $0xb8;
	[tilespmem:$0xC080] =	vst v63  }
0xaa: {  	_ = 	snop  }
0xab: {  	[tilespmem:s31], [sflag:$0x2] =	stream.indirect_vreg.gather [hbm4b:s6+s3], $0x80, v3, vm0, $0xb8;
	[tilespmem:$0xC080] =	vst v63  }
0xac: {  	v3 =	vld [tilespmem:$0x70];
	_ =	sdelay $0x4  }
0xad: {  	v63 =	vshrl.u32 v3, $0x3  }
0xae: {  	v4 =	vmul.u32 $0x30, v63  }
0xaf: {  	v3 =	vand.u32 $0x7, v3  }
0xb0: {  	v3 =	vor.u32 v3, v4  }
0xb1: {  	v4 =	vperm.xlane v3, v0;
	_ =	sdelay $0x1  }
0xb2: {  	v4 =	vadd.s32 v1, v4;
	_ =	sdelay $0x3  }
0xb3: {  	v3 =	vperm.xlane v3, v2  }
0xb4: {  	[tilespmem:s2], [sflag:$0x2] =	stream.indirect_vreg.gather [hbm4b:s1+s3], $0x80, v4, vm0, $0xb8;
	[tilespmem:$0xC080] =	vst v63  }
0xb5: {  	s13 =	simm.s32 $0x9880;
	v3 =	vadd.s32 v1, v3  }
0xb6: {  	[tilespmem:s13], [sflag:$0x2] =	stream.indirect_vreg.gather [hbm4b:s5+s3], $0x80, v4, vm0, $0xb8;
	[tilespmem:$0xC080] =	vst v63  }
0xb7: {  	_ = 	snop  }
0xb8: {  	[tilespmem:s8], [sflag:$0x2] =	stream.indirect_vreg.gather [hbm4b:s6+s3], $0x80, v4, vm0, $0xb8;
	[tilespmem:$0xC080] =	vst v63  }
0xb9: {  	_ = 	snop  }
0xba: {  	[tilespmem:s9], [sflag:$0x2] =	stream.indirect_vreg.gather [hbm4b:s1+s3], $0x80, v3, vm0, $0xb8;
	[tilespmem:$0xC080] =	vst v63  }
0xbb: {  	s8 =	simm.s32 $0xB080  }
0xbc: {  	[tilespmem:s8], [sflag:$0x2] =	stream.indirect_vreg.gather [hbm4b:s5+s3], $0x80, v3, vm0, $0xb8;
	[tilespmem:$0xC080] =	vst v63  }
0xbd: {  	s13 =	simm.s32 $0xB880  }
0xbe: {  	[tilespmem:s13], [sflag:$0x2] =	stream.indirect_vreg.gather [hbm4b:s6+s3], $0x80, v3, vm0, $0xb8;
	[tilespmem:$0xC080] =	vst v63  }
0xbf: {  	_ =	swait.ge [sflag:s4], $0x6000  }
0xc0: {  	[sflag:s4] =	ssyncset.done $0x0  }
0xc1: {  	s2 =	rddreg [dreg:$0x6];
	[sflag:s4] =	ssyncadd.s32 $0xFFFFA000  }
0xc2: {  	[hbm4b:s2+s3] =	stream.linear.scatter [tilespmem:s21], [sflag:$0x3], $0x6000, $0x38;
	[tilespmem:$0xC080] =	vst v63  }
0xc3: {  	_ =	swait.ge [sflag:s11], $0x6000  }
0xc4: {  	[sflag:s11] =	ssyncset.done $0x0  }
0xc5: {  	s8 =	rddreg [dreg:$0x7];
	[sflag:s11] =	ssyncadd.s32 $0xFFFFA000  }
0xc6: {  	[hbm4b:s8+s3] =	stream.linear.scatter [tilespmem:s0], [sflag:$0x4], $0x6000, $0x38;
	[tilespmem:$0xC080] =	vst v63  }
0xc7: {  	p0 =	sne.s32 s7, $0x1;
	_ =	swait.ge [sflag:s10], $0x6000  }
.Ltmp0:
0xc8: {  	[sflag:s10] =	ssyncset.done $0x0;
	(pc) =	sbr.rel @p0 .LBB2_1-.Ltmp0, $4  }
0xc9: {  	[sflag:s10] =	ssyncadd.s32 $0xFFFFA000  }
0xca: {  	_ =	swait.ge [sflag:s12], $0x6000  }
0xcb: {  	[sflag:s12] =	ssyncset.done $0x0  }
0xcc: {  	s7 =	sadd.s32 $0xFFFFFFFF, s7;
	[sflag:s12] =	ssyncadd.s32 $0xFFFFA000  }
0xcd: {  	_ =	sfence.sel $0x180000  }
0xce: {  	[bflag:$0x0] =	sbarrier.arrive $0xFFFF  }
0xcf: {  	_ =	strace $0x90000047  }
0xd0: {  	s0 =	stileid.u32;
	[bflag:$0x2] =	sbarrier.arrive $0xFFFF  }
0xd1: {  	p0 =	sne.s32 s0, $0x0;
	s0 =	rddreg [dreg:$0x3]  }
0xd2: {  	s0 =	sadd.s32 @!p0 $0x100000, s0  }
0xd3: {  	[sflag:s0] =	ssyncadd.tile.s32 @!p0 $0x1;
	_ =	shalt  }
.Lfunc_end2:
_tile_overlayer_lowered:
.L_overlay_start_2:
0xd4: {  	(tag) =	ssettag $0x2  }
0xd5: {  	s0 =	rddreg [dreg:$0x0];
	s2 =	stileid.u32  }
0xd6: {  	s1 =	rddreg [dreg:$0x1];
	p0 =	sne.s32 s2, $0x0  }
0xd7: {  	s3 =	rddreg [dreg:$0x2];
	[bflag:$0x3] =	sbarrier.arrive $0xFFFF;
	s2 =	simm.s32 @!p0 $0x1C05  }
0xd8: {  	[timem:s3], [sflag:s2] =	dma.local @!p0 [hbm:s0], s1  }
0xd9: {  	s0 =	simm.s32 @!p0 $0x5  }
0xda: {  	_ =	swait.ge @!p0 [sflag:s0], s1  }
0xdb: {  	s1 =	ssub.s32 @!p0 $0x0, s1;
	[sflag:s0] =	ssyncset.done @!p0 $0x0  }
0xdc: {  	[sflag:s0] =	ssyncadd.s32 @!p0 s1  }
0xdd: {  	[bflag:$0x3] =	sbarrier.arrive $0xFFFF  }
0xde: {  	_ =	shalt  }

// kernel: kernel.9.cloned.1.call-start
scs
__scs_entry_jumppad:
0x0: {  	(pc) =	sbr.rel $0x88, $3  }
0x1: {  	(tag) =	ssettag $0x0;
	lr =	simm.s32 $0x1  }
0x2: {  	[smem:$0x3F9A] =	sst lr;
	_ =	strace $0xD0000000  }
0x3: {  	_ = 	snop  }
0x4: {  	_ = 	snop  }
0x5: {  	_ = 	snop  }
0x6: {  	_ = 	snop  }
0x7: {  	_ = 	snop  }
__scs_overlays_trampoline_lowered:
0x8: {  	[smem:$0x3FA9] =	sst s0  }
0x9: {  	[smem:$0x3FAA] =	sst s1  }
0xa: {  	[smem:$0x3FAB] =	sst s2  }
0xb: {  	[smem:$0x3FAC] =	sst s3  }
0xc: {  	[smem:$0x3FAD] =	sst s4  }
0xd: {  	[smem:$0x3FAE] =	sst s5  }
0xe: {  	[smem:$0x3FAF] =	sst s6  }
0xf: {  	[smem:$0x3FB0] =	sst s7  }
0x10: {  	[smem:$0x3FB1] =	sst s8  }
0x11: {  	[smem:$0x3FB2] =	sst s9;
	s0 =	simm.s32 @!p0 $0x0  }
0x12: {  	s1 =	sld [smem:$0x3F98];
	s0 =	simm.s32 @p0 $0x1  }
0x13: {  	[smem:$0x3FB3] =	sst s0;
	s0 =	simm.s32 @!p1 $0x0  }
0x14: {  	s2 =	sld [smem:$0x3F97];
	s0 =	simm.s32 @p1 $0x1  }
0x15: {  	[smem:$0x3FB4] =	sst s0;
	s0 =	simm.s32 @!p2 $0x0  }
0x16: {  	s3 =	sld [smem:$0x3FDB];
	s0 =	simm.s32 @p2 $0x1  }
0x17: {  	s4 =	simm.s32 $0x1BF5;
	[smem:$0x3FB6] =	sst s0  }
0x18: {  	s0 =	sld [smem:$0x3F99];
	_ =	swait.ge [sflag:s4], $0x0  }
0x19: {  	s7 =	sld [smem:$0x3F9A]  }
0x1a: {  	s8 =	sadd.s32 $0xFFFFE003, lr  }
0x1b: {  	s9 =	sadd.s32 $0xFFFFFEF7, lr;
	s5 =	simm.s32 $0xFFFFFFFF;
	p2 =	slt.u32 s8, $0xFFFFF086  }
0x1c: {  	p1 =	slt.u32 s9, $0xF7A;
	s5 =	simm.s32 @!p2 $0x0  }
0x1d: {  	s5 =	simm.s32 @p1 $0x1;
	p0 =	seq.s32 s7, s2  }
0x1e: {  	s7 =	smul.u32 @!p0 $0xF7A, s2;
	p2 =	seq.s32 @!p0 s5, $0x0  }
0x1f: {  	s9 =	smul.u32 $0xF7A, s1;
	s8 =	simm.s32 @!p0 $0x1BF5;
	p2 =	por !p2, p0  }
0x20: {  	[sflag:s8] =	ssyncset.s32 @!p0 $0xFFFFF086;
	s6 =	sadd.s32 @!p0 s3, s7;
	s7 =	simm.s32 @!p0 $0x108  }
0x21: {  	s3 =	sadd.s32 s3, s9;
	s6 =	sadd.s32 @!p0 $0x88, s6;
	s7 =	simm.s32 @p2 $0x1082  }
0x22: {  	[simem:s7], [sflag:s8] =	dma.local @!p0 [hbm:s6], $0xF7A  }
0x23: {  	s9 =	sor.u32 $0xD0000000, s2;
	s6 =	simm.s32 $0x108;
	_ =	swait.ge @!p0 [sflag:s8], $0x0  }
0x24: {  	s3 =	sadd.s32 $0x88, s3;
	s6 =	simm.s32 @!p1 $0x1082;
	[sflag:s4] =	ssyncset.s32 $0xFFFFF086  }
0x25: {  	[simem:s6], [sflag:s4] =	dma.local [hbm:s3], $0xF7A  }
0x26: {  	[smem:$0x3F9A] =	sst s1;
	(tag) =	ssettag s2;
	_ =	strace s9  }
0x27: {  	s1 =	sld [smem:$0x3FAA]  }
0x28: {  	s2 =	sld [smem:$0x3FAB]  }
0x29: {  	s4 =	sld [smem:$0x3FAD]  }
0x2a: {  	p0 =	seq.s32 s5, $0x0;
	s5 =	sld [smem:$0x3FAE]  }
0x2b: {  	s6 =	sld [smem:$0x3FAF]  }
0x2c: {  	s7 =	sld [smem:$0x3FB0]  }
0x2d: {  	s3 =	simm.s32 $0x108;
	s8 =	sld [smem:$0x3FB1]  }
0x2e: {  	s3 =	simm.s32 @!p0 $0x1082;
	s9 =	sld [smem:$0x3FB2]  }
0x2f: {  	lr =	sadd.s32 s0, s3;
	s0 =	sld [smem:$0x3FA9]  }
0x30: {  	s3 =	sld [smem:$0x3FAC]  }
0x31: {  	[smem:$0x3FB5] =	sst s10  }
0x32: {  	s10 =	sld [smem:$0x3FB3];
	_ =	sdelay $0x3  }
0x33: {  	p0 =	seq.s32 s10, $0x1;
	s10 =	sld [smem:$0x3FB5];
	_ =	sdelay $0x3  }
0x34: {  	[smem:$0x3FB5] =	sst s10  }
0x35: {  	s10 =	sld [smem:$0x3FB4];
	_ =	sdelay $0x3  }
0x36: {  	p1 =	seq.s32 s10, $0x1;
	s10 =	sld [smem:$0x3FB5];
	_ =	sdelay $0x3  }
0x37: {  	[smem:$0x3FB5] =	sst s10  }
0x38: {  	s10 =	sld [smem:$0x3FB6]  }
0x39: {  	_ = 	snop;
	(pc) =	sbr.ind lr, $3  }
0x3a: {  	_ = 	snop  }
0x3b: {  	_ = 	snop  }
0x3c: {  	p2 =	seq.s32 s10, $0x1;
	s10 =	sld [smem:$0x3FB5]  }
0x3d: {  	_ =	shalt  }
0x3e: {  	_ =	shalt  }
0x3f: {  	_ =	shalt  }
0x40: {  	_ =	shalt  }
0x41: {  	_ =	shalt  }
0x42: {  	_ =	shalt  }
0x43: {  	_ =	shalt  }
0x44: {  	_ =	shalt  }
0x45: {  	_ =	shalt  }
0x46: {  	_ =	shalt  }
0x47: {  	_ =	shalt  }
0x48: {  	_ =	shalt  }
0x49: {  	_ =	shalt  }
0x4a: {  	_ =	shalt  }
0x4b: {  	_ =	shalt  }
0x4c: {  	_ =	shalt  }
0x4d: {  	_ =	shalt  }
0x4e: {  	_ =	shalt  }
0x4f: {  	_ =	shalt  }
0x50: {  	_ =	shalt  }
0x51: {  	_ =	shalt  }
0x52: {  	_ =	shalt  }
0x53: {  	_ =	shalt  }
0x54: {  	_ =	shalt  }
0x55: {  	_ =	shalt  }
0x56: {  	_ =	shalt  }
0x57: {  	_ =	shalt  }
0x58: {  	_ =	shalt  }
0x59: {  	_ =	shalt  }
0x5a: {  	_ =	shalt  }
0x5b: {  	_ =	shalt  }
0x5c: {  	_ =	shalt  }
0x5d: {  	_ =	shalt  }
0x5e: {  	_ =	shalt  }
0x5f: {  	_ =	shalt  }
0x60: {  	_ =	shalt  }
0x61: {  	_ =	shalt  }
0x62: {  	_ =	shalt  }
0x63: {  	_ =	shalt  }
0x64: {  	_ =	shalt  }
0x65: {  	_ =	shalt  }
0x66: {  	_ =	shalt  }
0x67: {  	_ =	shalt  }
0x68: {  	_ =	shalt  }
0x69: {  	_ =	shalt  }
0x6a: {  	_ =	shalt  }
0x6b: {  	_ =	shalt  }
0x6c: {  	_ =	shalt  }
0x6d: {  	_ =	shalt  }
0x6e: {  	_ =	shalt  }
0x6f: {  	_ =	shalt  }
0x70: {  	_ =	shalt  }
0x71: {  	_ =	shalt  }
0x72: {  	_ =	shalt  }
0x73: {  	_ =	shalt  }
0x74: {  	_ =	shalt  }
0x75: {  	_ =	shalt  }
0x76: {  	_ =	shalt  }
0x77: {  	_ =	shalt  }
0x78: {  	_ =	shalt  }
0x79: {  	_ =	shalt  }
0x7a: {  	_ =	shalt  }
0x7b: {  	_ =	shalt  }
0x7c: {  	_ =	shalt  }
0x7d: {  	_ =	shalt  }
0x7e: {  	_ =	shalt  }
0x7f: {  	_ =	shalt  }
0x80: {  	_ =	shalt  }
0x81: {  	_ =	shalt  }
0x82: {  	_ =	shalt  }
0x83: {  	_ =	shalt  }
0x84: {  	_ =	shalt  }
0x85: {  	_ =	shalt  }
0x86: {  	_ =	shalt  }
0x87: {  	_ =	shalt  }
.Lfunc_end0:
.L_simem_size_0:
called_computation.1_lowered:
.L_overlay_start_0:
0x88: {  	s2 =	sld [smem:$0x3FD9]  }
0x89: {  	s3 =	sld [smem:$0x3FFE];
	_ =	sdelay $0x1  }
0x8a: {  	s1 =	srdreg.scid  }
0x8b: {  	s0 =	sand.u32 $0x1, s1  }
0x8c: {  	s17 =	sshll.u32 s0, $0xA;
	s2 =	sadd.s32 s3, s2  }
0x8d: {  	s2 =	sadd.s32 s2, s17  }
0x8e: {  	[smem:$0x3FC1] =	sst s2  }
0x8f: {  	_ = 	snop  }
0x90: {  	s18 =	sld [smem:$0x3FC7];
	(tm) =	ssettm $0x1  }
0x91: {  	s19 =	sld [smem:$0x3FFB];
	_ =	sdelay $0x3  }
0x92: {  	_ =	strace s19  }
0x93: {  	s2 =	sld [smem:$0x3FFC];
	_ =	sdelay $0x3  }
0x94: {  	_ =	strace s2  }
0x95: {  	s2 =	sld [smem:$0x3FFD];
	_ =	sdelay $0x3  }
0x96: {  	_ =	strace s2  }
0x97: {  	_ =	strace $0x8FFFFFFF  }
0x98: {  	s20 =	sld [smem:$0x3FDB];
	_ =	sdelay $0x1  }
0x99: {  	s4 =	simm.s32 $_scs_section_size  }
0x9a: {  	s5 =	simm.s32 $_size__tile_overlayer_lowered;
	s6 =	simm.s32 $_tile_overlayer_lowered  }
0x9b: {  	s7 =	simm.s32 $0x1BFF;
	s21 =	sshll.u32 s6, $0x1;
	s4 =	sadd.s32 s4, s20  }
0x9c: {  	s22 =	simm.s32 $0x0;
	s5 =	sshll.u32 s5, $0x1;
	s6 =	sadd.s32 s21, s4  }
0x9d: {  	[timem:s22], [sflag:s7] =	dma.local [hbm:s6], s5  }
0x9e: {  	_ =	swait.ge [sflag:s7], s5  }
0x9f: {  	s5 =	ssub.s32 $0x0, s5;
	[sflag:s7] =	ssyncset.done $0x0  }
0xa0: {  	[sflag:s7] =	ssyncadd.s32 s5;
	_ =	sdelay $0x1  }
0xa1: {  	s23 =	simm.s32 $0x1B8B  }
0xa2: {  	_ =	swait.ge [sflag:s23], $0x1  }
0xa3: {  	[sflag:s23] =	ssyncset.done $0x0  }
0xa4: {  	[sflag:s23] =	ssyncadd.s32 $0xFFFFFFFF  }
0xa5: {  	s5 =	sld [smem:$0x0]  }
0xa6: {  	s6 =	sand.u32 $0xFFFFFFFE, s1  }
0xa7: {  	p0 =	sne.s32 s1, s6  }
0xa8: {  	s6 =	sshll.u32 @p0 s6, $0xE  }
0xa9: {  	s6 =	sadd.s32 @p0 $0x11B8D, s6;
	s7 =	sshll.u32 @p0 s5, $0x11  }
0xaa: {  	s6 =	sor.u32 @p0 s7, s6  }
0xab: {  	[sflag:s6] =	ssyncadd.remote.s32 @p0 $0x1;
	_ =	sdelay $0x1  }
0xac: {  	s6 =	simm.s32 @p0 $0x1B8D  }
0xad: {  	_ =	swait.eq @p0 [sflag:s6], $0x1  }
0xae: {  	[sflag:s6] =	ssyncadd.s32 @p0 $0xFFFFFFFF  }
0xaf: {  	s7 =	sshll.u32 @!p0 s1, $0xE  }
0xb0: {  	s7 =	sor.u32 @!p0 $0x4000, s7;
	s6 =	simm.s32 @!p0 $0x1B8D  }
0xb1: {  	s5 =	sshll.u32 @!p0 s5, $0x11;
	s7 =	sadd.s32 @!p0 $0x11B8D, s7;
	_ =	swait.eq @!p0 [sflag:s6], $0x1  }
0xb2: {  	s5 =	sor.u32 @!p0 s5, s7;
	[sflag:s6] =	ssyncadd.s32 @!p0 $0xFFFFFFFF  }
0xb3: {  	s25 =	simm.s32 $0x1B8E;
	s24 =	sld [smem:$0x3FFE];
	[sflag:s5] =	ssyncadd.remote.s32 @!p0 $0x1  }
0xb4: {  	s26 =	simm.s32 $execute0_lowered;
	[smem:$0x3FD2] =	sst s25  }
0xb5: {  	s6 =	sshll.u32 s26, $0x1;
	_ =	strace $0x80000049;
	[dreg:$0x1] =	wrdreg $0xFFFFFFFF  }
0xb6: {  	s28 =	simm.s32 $_size_execute0_lowered;
	s4 =	sadd.s32 s4, s6;
	[dreg:$0x0] =	wrdreg $0x0  }
0xb7: {  	s6 =	sshll.u32 s28, $0x1;
	[dreg:$0x2] =	wrdreg s4  }
0xb8: {  	[dreg:$0x3] =	wrdreg s6  }
0xb9: {  	[dreg:$0x4] =	wrdreg $0xC0  }
0xba: {  	_ =	task [dreg:s22], $0x5FFFF  }
0xbb: {  	[dreg:$0x1] =	wrdreg $0xFFFFFFFF  }
0xbc: {  	[dreg:$0x0] =	wrdreg $0x60  }
0xbd: {  	[dreg:$0x2] =	wrdreg s18  }
0xbe: {  	[dreg:$0x3] =	wrdreg s24  }
0xbf: {  	[dreg:$0x4] =	wrdreg $0xA  }
0xc0: {  	_ =	task.clear_ibuf [dreg:s22], $0x5FFFF;
	_ =	strace $0x90000049  }
0xc1: {  	s29 =	simm.s32 $0xA;
	_ =	strace $0x8000004B  }
0xc2: {  	_ =	swait.ge [sflag:s29], $0x1  }
0xc3: {  	[sflag:s29] =	ssyncadd.s32 $0xFFFFFFFF  }
0xc4: {  	_ =	strace $0x9000004B  }
0xc5: {  	_ =	sfence  }
0xc6: {  	s30 =	sld [smem:$0x0];
	_ =	sdelay $0x2  }
0xc7: {  	s31 =	sshll.u32 s1, $0xD;
	s1 =	sshrl.u32 s1, $0x2  }
0xc8: {  	s4 =	sand.u32 $0x4000, s31;
	s1 =	sadd.s32 s1, s30  }
0xc9: {  	s0 =	sor.u32 s4, s0;
	s1 =	sshll.u32 s1, $0x11  }
0xca: {  	s0 =	sor.u32 s1, s0  }
0xcb: {  	s0 =	sadd.s32 $0x8F2B, s0  }
0xcc: {  	[sflag:s0] =	ssyncadd.remote.s32 $0x1  }
0xcd: {  	_ =	sfence.sel $0xFFFF  }
0xce: {  	[dreg:$0x0] =	wrdreg $0xFFFFFFFF;
	(pc) =	sbr.abs _section_cstart, $3  }
0xcf: {  	[dreg:$0x1] =	wrdreg $0xFFFFFFFF  }
0xd0: {  	_ =	task.clear_ibuf [dreg:s22], $0x2FFFF;
	_ =	strace $0x9FFFFFFF  }
0xd1: {  	(tm) =	ssettm $0x7FFFFFFF  }
tec
execute0_lowered:
.L_overlay_start_1:
0x0: {  	(tag) =	ssettag $0x1  }
0x1: {  	s0 =	srdreg.scid;
	s2 =	rddreg [dreg:$0x0]  }
0x2: {  	s3 =	stileid.u32;
	s1 =	rddreg [dreg:$0x1]  }
0x3: {  	s10 =	simm.s32 $0x3;
	s11 =	simm.s32 $0x2;
	s12 =	simm.s32 $0x4  }
0x4: {  	s21 =	simm.s32 $0x80;
	s14 =	simm.s32 $0x880;
	s15 =	simm.s32 $0x1080  }
0x5: {  	s16 =	simm.s32 $0x1880;
	s17 =	simm.s32 $0x2080;
	s18 =	simm.s32 $0x2880  }
0x6: {  	s19 =	simm.s32 $0x3080;
	s20 =	simm.s32 $0x3880;
	s22 =	simm.s32 $0x4080  }
0x7: {  	s28 =	simm.s32 $0x7080;
	s29 =	simm.s32 $0x7880;
	s30 =	simm.s32 $0x8080  }
0x8: {  	s31 =	simm.s32 $0x8880;
	s9 =	simm.s32 $0xA880;
	s0 =	sand.u32 $0x1, s0  }
0x9: {  	s4 =	sshll.u32 s3, $0x5;
	s3 =	simm.s32 $0x0;
	s5 =	sshll.u32 s0, $0x4  }
0xa: {  	[smem:$0x7FF] =	sst s3;
	s0 =	ssub.s32 $0x2, s0;
	s4 =	sor.u32 s5, s4  }
0xb: {  	_ =	strace $0x8000004A;
	s25 =	sshrl.u32 s0, $0x1;
	s5 =	smul.u32 $0x300, s4  }
0xc: {  	s6 =	smul.u32 $0x1800, s4;
	s4 =	sadd.s32 s4, s1;
	s1 =	sadd.s32 $0x1C00, s1  }
0xd: {  	s0 =	ssub.s32 s0, s25;
	s25 =	simm.s32 $0x5880;
	s4 =	sadd.s32 $0x1A00, s4  }
0xe: {  	s7 =	sadd.s32 s1, s5;
	s23 =	sshrl.u32 s6, $0x3;
	[dreg:$0x3] =	wrdreg s4  }
0xf: {  	s5 =	sadd.s32 $0x100, s2;
	s6 =	sadd.s32 $0x200, s2;
	s4 =	simm.s32 $0x1  }
0x10: {  	[dreg:$0x7] =	wrdreg s7;
	s24 =	sadd.s32 $0xC00, s7;
	s1 =	sadd.s32 s1, s23  }
0x11: {  	v2 =	vlaneseq.u32;
	s7 =	smax.u32 s0, $0x1;
	[dreg:$0x4] =	wrdreg s24;
	s26 =	sadd.s32 $0x1800, s1  }
0x12: {  	vm0 =	vmmov $0xffff;
	v1 =	vshrl.u32 v2, $0x3;
	s23 =	simm.s32 $0x4880;
	s1 =	sadd.s32 $0x2400, s1;
	[dreg:$0x5] =	wrdreg s26  }
0x13: {  	v0 =	vand.u32 $0x7, v2;
	v2 =	vor.u32 $0x8, v2;
	v1 =	vmul.u32 $0x8, v1;
	s24 =	simm.s32 $0x5080;
	[dreg:$0x6] =	wrdreg s1;
	s26 =	simm.s32 $0x6880  }
.LBB2_1:
0x14: {  	s13 =	rddreg [dreg:$0x3];
	s0 =	simm.s32 $0x5  }
0x15: {  	[tilespmem:s3], [sflag:$0x5] =	stream.linear.gather [hbm4b:s13+s3], $0x80, $0x38;
	[tilespmem:$0xC080] =	vst v63  }
0x16: {  	_ =	swait.ge [sflag:s0], $0x80  }
0x17: {  	[sflag:s0] =	ssyncset.done $0x0  }
0x18: {  	[sflag:s0] =	ssyncadd.s32 $0xFFFFFF80  }
0x19: {  	v3 =	vld [tilespmem:$0x0];
	_ =	sdelay $0x4  }
0x1a: {  	v4 =	vshrl.u32 v3, $0x3  }
0x1b: {  	v4 =	vmul.u32 $0x30, v4  }
0x1c: {  	v3 =	vand.u32 $0x7, v3  }
0x1d: {  	v3 =	vor.u32 v3, v4  }
0x1e: {  	v4 =	vperm.xlane v3, v0;
	_ =	sdelay $0x1  }
0x1f: {  	v4 =	vadd.s32 v1, v4;
	_ =	sdelay $0x3  }
0x20: {  	v3 =	vperm.xlane v3, v2  }
0x21: {  	[tilespmem:s21], [sflag:$0x1] =	stream.indirect_vreg.gather [hbm4b:s2+s3], $0x80, v4, vm0, $0xb8;
	[tilespmem:$0xC080] =	vst v63  }
0x22: {  	v3 =	vadd.s32 v1, v3  }
0x23: {  	[tilespmem:s14], [sflag:$0x1] =	stream.indirect_vreg.gather [hbm4b:s5+s3], $0x80, v4, vm0, $0xb8;
	[tilespmem:$0xC080] =	vst v63  }
0x24: {  	_ = 	snop  }
0x25: {  	[tilespmem:s15], [sflag:$0x1] =	stream.indirect_vreg.gather [hbm4b:s6+s3], $0x80, v4, vm0, $0xb8;
	[tilespmem:$0xC080] =	vst v63  }
0x26: {  	_ = 	snop  }
0x27: {  	[tilespmem:s16], [sflag:$0x1] =	stream.indirect_vreg.gather [hbm4b:s2+s3], $0x80, v3, vm0, $0xb8;
	[tilespmem:$0xC080] =	vst v63  }
0x28: {  	_ = 	snop  }
0x29: {  	[tilespmem:s17], [sflag:$0x1] =	stream.indirect_vreg.gather [hbm4b:s5+s3], $0x80, v3, vm0, $0xb8;
	[tilespmem:$0xC080] =	vst v63  }
0x2a: {  	_ = 	snop  }
0x2b: {  	[tilespmem:s18], [sflag:$0x1] =	stream.indirect_vreg.gather [hbm4b:s6+s3], $0x80, v3, vm0, $0xb8;
	[tilespmem:$0xC080] =	vst v63  }
0x2c: {  	v3 =	vld [tilespmem:$0x10];
	_ =	sdelay $0x4  }
0x2d: {  	v57 =	vshrl.u32 v3, $0x3  }
0x2e: {  	v4 =	vmul.u32 $0x30, v57  }
0x2f: {  	v3 =	vand.u32 $0x7, v3  }
0x30: {  	v3 =	vor.u32 v3, v4  }
0x31: {  	v4 =	vperm.xlane v3, v0;
	_ =	sdelay $0x1  }
0x32: {  	v4 =	vadd.s32 v1, v4;
	_ =	sdelay $0x3  }
0x33: {  	v3 =	vperm.xlane v3, v2  }
0x34: {  	[tilespmem:s19], [sflag:$0x1] =	stream.indirect_vreg.gather [hbm4b:s2+s3], $0x80, v4, vm0, $0xb8;
	[tilespmem:$0xC080] =	vst v63  }
0x35: {  	v3 =	vadd.s32 v1, v3  }
0x36: {  	[tilespmem:s20], [sflag:$0x1] =	stream.indirect_vreg.gather [hbm4b:s5+s3], $0x80, v4, vm0, $0xb8;
	[tilespmem:$0xC080] =	vst v63  }
0x37: {  	_ = 	snop  }
0x38: {  	[tilespmem:s22], [sflag:$0x1] =	stream.indirect_vreg.gather [hbm4b:s6+s3], $0x80, v4, vm0, $0xb8;
	[tilespmem:$0xC080] =	vst v63  }
0x39: {  	_ = 	snop  }
0x3a: {  	[tilespmem:s23], [sflag:$0x1] =	stream.indirect_vreg.gather [hbm4b:s2+s3], $0x80, v3, vm0, $0xb8;
	[tilespmem:$0xC080] =	vst v63  }
0x3b: {  	_ = 	snop  }
0x3c: {  	[tilespmem:s24], [sflag:$0x1] =	stream.indirect_vreg.gather [hbm4b:s5+s3], $0x80, v3, vm0, $0xb8;
	[tilespmem:$0xC080] =	vst v63  }
0x3d: {  	_ = 	snop  }
0x3e: {  	[tilespmem:s25], [sflag:$0x1] =	stream.indirect_vreg.gather [hbm4b:s6+s3], $0x80, v3, vm0, $0xb8;
	[tilespmem:$0xC080] =	vst v63  }
0x3f: {  	v3 =	vld [tilespmem:$0x20];
	_ =	sdelay $0x4  }
0x40: {  	v58 =	vshrl.u32 v3, $0x3  }
0x41: {  	v4 =	vmul.u32 $0x30, v58  }
0x42: {  	v3 =	vand.u32 $0x7, v3  }
0x43: {  	v3 =	vor.u32 v3, v4  }
0x44: {  	v4 =	vperm.xlane v3, v0;
	_ =	sdelay $0x1  }
0x45: {  	v4 =	vadd.s32 v1, v4;
	_ =	sdelay $0x3  }
0x46: {  	s0 =	simm.s32 $0x6080;
	v3 =	vperm.xlane v3, v2  }
0x47: {  	[tilespmem:s0], [sflag:$0x2] =	stream.indirect_vreg.gather [hbm4b:s2+s3], $0x80, v4, vm0, $0xb8;
	[tilespmem:$0xC080] =	vst v63  }
0x48: {  	v3 =	vadd.s32 v1, v3  }
0x49: {  	[tilespmem:s26], [sflag:$0x2] =	stream.indirect_vreg.gather [hbm4b:s5+s3], $0x80, v4, vm0, $0xb8;
	[tilespmem:$0xC080] =	vst v63  }
0x4a: {  	_ = 	snop  }
0x4b: {  	[tilespmem:s28], [sflag:$0x2] =	stream.indirect_vreg.gather [hbm4b:s6+s3], $0x80, v4, vm0, $0xb8;
	[tilespmem:$0xC080] =	vst v63  }
0x4c: {  	_ = 	snop  }
0x4d: {  	[tilespmem:s29], [sflag:$0x2] =	stream.indirect_vreg.gather [hbm4b:s2+s3], $0x80, v3, vm0, $0xb8;
	[tilespmem:$0xC080] =	vst v63  }
0x4e: {  	_ = 	snop  }
0x4f: {  	[tilespmem:s30], [sflag:$0x2] =	stream.indirect_vreg.gather [hbm4b:s5+s3], $0x80, v3, vm0, $0xb8;
	[tilespmem:$0xC080] =	vst v63  }
0x50: {  	_ = 	snop  }
0x51: {  	[tilespmem:s31], [sflag:$0x2] =	stream.indirect_vreg.gather [hbm4b:s6+s3], $0x80, v3, vm0, $0xb8;
	[tilespmem:$0xC080] =	vst v63  }
0x52: {  	v3 =	vld [tilespmem:$0x30];
	_ =	sdelay $0x4  }
0x53: {  	v59 =	vshrl.u32 v3, $0x3  }
0x54: {  	v4 =	vmul.u32 $0x30, v59  }
0x55: {  	v3 =	vand.u32 $0x7, v3  }
0x56: {  	v3 =	vor.u32 v3, v4  }
0x57: {  	v4 =	vperm.xlane v3, v0;
	_ =	sdelay $0x1  }
0x58: {  	v4 =	vadd.s32 v1, v4;
	_ =	sdelay $0x3  }
0x59: {  	s1 =	simm.s32 $0x9080;
	v3 =	vperm.xlane v3, v2  }
0x5a: {  	[tilespmem:s1], [sflag:$0x2] =	stream.indirect_vreg.gather [hbm4b:s2+s3], $0x80, v4, vm0, $0xb8;
	[tilespmem:$0xC080] =	vst v63  }
0x5b: {  	s8 =	simm.s32 $0x9880;
	v3 =	vadd.s32 v1, v3  }
0x5c: {  	[tilespmem:s8], [sflag:$0x2] =	stream.indirect_vreg.gather [hbm4b:s5+s3], $0x80, v4, vm0, $0xb8;
	[tilespmem:$0xC080] =	vst v63  }
0x5d: {  	s8 =	simm.s32 $0xA080  }
0x5e: {  	[tilespmem:s8], [sflag:$0x2] =	stream.indirect_vreg.gather [hbm4b:s6+s3], $0x80, v4, vm0, $0xb8;
	[tilespmem:$0xC080] =	vst v63  }
0x5f: {  	_ = 	snop  }
0x60: {  	[tilespmem:s9], [sflag:$0x2] =	stream.indirect_vreg.gather [hbm4b:s2+s3], $0x80, v3, vm0, $0xb8;
	[tilespmem:$0xC080] =	vst v63  }
0x61: {  	s13 =	simm.s32 $0xB080  }
0x62: {  	[tilespmem:s13], [sflag:$0x2] =	stream.indirect_vreg.gather [hbm4b:s5+s3], $0x80, v3, vm0, $0xb8;
	[tilespmem:$0xC080] =	vst v63  }
0x63: {  	s13 =	simm.s32 $0xB880  }
0x64: {  	[tilespmem:s13], [sflag:$0x2] =	stream.indirect_vreg.gather [hbm4b:s6+s3], $0x80, v3, vm0, $0xb8;
	[tilespmem:$0xC080] =	vst v63  }
0x65: {  	_ =	swait.ge [sflag:s4], $0x6000  }
0x66: {  	[sflag:s4] =	ssyncset.done $0x0  }
0x67: {  	s13 =	rddreg [dreg:$0x7];
	[sflag:s4] =	ssyncadd.s32 $0xFFFFA000  }
0x68: {  	[hbm4b:s13+s3] =	stream.linear.scatter [tilespmem:s21], [sflag:$0x3], $0x6000, $0x38;
	[tilespmem:$0xC080] =	vst v63  }
0x69: {  	_ =	swait.ge [sflag:s10], $0x6000  }
0x6a: {  	[sflag:s10] =	ssyncset.done $0x0  }
0x6b: {  	[sflag:s10] =	ssyncadd.s32 $0xFFFFA000  }
0x6c: {  	v3 =	vld [tilespmem:$0x40];
	_ =	sdelay $0x4  }
0x6d: {  	v60 =	vshrl.u32 v3, $0x3  }
0x6e: {  	v4 =	vmul.u32 $0x30, v60  }
0x6f: {  	v3 =	vand.u32 $0x7, v3  }
0x70: {  	v3 =	vor.u32 v3, v4  }
0x71: {  	v4 =	vperm.xlane v3, v0;
	_ =	sdelay $0x1  }
0x72: {  	v4 =	vadd.s32 v1, v4;
	_ =	sdelay $0x3  }
0x73: {  	v3 =	vperm.xlane v3, v2  }
0x74: {  	[tilespmem:s21], [sflag:$0x1] =	stream.indirect_vreg.gather [hbm4b:s2+s3], $0x80, v4, vm0, $0xb8;
	[tilespmem:$0xC080] =	vst v63  }
0x75: {  	v3 =	vadd.s32 v1, v3  }
0x76: {  	[tilespmem:s14], [sflag:$0x1] =	stream.indirect_vreg.gather [hbm4b:s5+s3], $0x80, v4, vm0, $0xb8;
	[tilespmem:$0xC080] =	vst v63  }
0x77: {  	_ = 	snop  }
0x78: {  	[tilespmem:s15], [sflag:$0x1] =	stream.indirect_vreg.gather [hbm4b:s6+s3], $0x80, v4, vm0, $0xb8;
	[tilespmem:$0xC080] =	vst v63  }
0x79: {  	_ = 	snop  }
0x7a: {  	[tilespmem:s16], [sflag:$0x1] =	stream.indirect_vreg.gather [hbm4b:s2+s3], $0x80, v3, vm0, $0xb8;
	[tilespmem:$0xC080] =	vst v63  }
0x7b: {  	_ = 	snop  }
0x7c: {  	[tilespmem:s17], [sflag:$0x1] =	stream.indirect_vreg.gather [hbm4b:s5+s3], $0x80, v3, vm0, $0xb8;
	[tilespmem:$0xC080] =	vst v63  }
0x7d: {  	_ = 	snop  }
0x7e: {  	[tilespmem:s18], [sflag:$0x1] =	stream.indirect_vreg.gather [hbm4b:s6+s3], $0x80, v3, vm0, $0xb8;
	[tilespmem:$0xC080] =	vst v63  }
0x7f: {  	v3 =	vld [tilespmem:$0x50];
	_ =	sdelay $0x4  }
0x80: {  	v61 =	vshrl.u32 v3, $0x3  }
0x81: {  	v4 =	vmul.u32 $0x30, v61  }
0x82: {  	v3 =	vand.u32 $0x7, v3  }
0x83: {  	v3 =	vor.u32 v3, v4  }
0x84: {  	v4 =	vperm.xlane v3, v0;
	_ =	sdelay $0x1  }
0x85: {  	v4 =	vadd.s32 v1, v4;
	_ =	sdelay $0x3  }
0x86: {  	v3 =	vperm.xlane v3, v2  }
0x87: {  	[tilespmem:s19], [sflag:$0x1] =	stream.indirect_vreg.gather [hbm4b:s2+s3], $0x80, v4, vm0, $0xb8;
	[tilespmem:$0xC080] =	vst v63  }
0x88: {  	v3 =	vadd.s32 v1, v3  }
0x89: {  	[tilespmem:s20], [sflag:$0x1] =	stream.indirect_vreg.gather [hbm4b:s5+s3], $0x80, v4, vm0, $0xb8;
	[tilespmem:$0xC080] =	vst v63  }
0x8a: {  	_ = 	snop  }
0x8b: {  	[tilespmem:s22], [sflag:$0x1] =	stream.indirect_vreg.gather [hbm4b:s6+s3], $0x80, v4, vm0, $0xb8;
	[tilespmem:$0xC080] =	vst v63  }
0x8c: {  	_ = 	snop  }
0x8d: {  	[tilespmem:s23], [sflag:$0x1] =	stream.indirect_vreg.gather [hbm4b:s2+s3], $0x80, v3, vm0, $0xb8;
	[tilespmem:$0xC080] =	vst v63  }
0x8e: {  	_ = 	snop  }
0x8f: {  	[tilespmem:s24], [sflag:$0x1] =	stream.indirect_vreg.gather [hbm4b:s5+s3], $0x80, v3, vm0, $0xb8;
	[tilespmem:$0xC080] =	vst v63  }
0x90: {  	_ = 	snop  }
0x91: {  	[tilespmem:s25], [sflag:$0x1] =	stream.indirect_vreg.gather [hbm4b:s6+s3], $0x80, v3, vm0, $0xb8;
	[tilespmem:$0xC080] =	vst v63  }
0x92: {  	_ =	swait.ge [sflag:s11], $0x6000  }
0x93: {  	[sflag:s11] =	ssyncset.done $0x0  }
0x94: {  	s13 =	rddreg [dreg:$0x4];
	[sflag:s11] =	ssyncadd.s32 $0xFFFFA000  }
0x95: {  	[hbm4b:s13+s3] =	stream.linear.scatter [tilespmem:s0], [sflag:$0x4], $0x6000, $0x38;
	[tilespmem:$0xC080] =	vst v63  }
0x96: {  	_ =	swait.ge [sflag:s12], $0x6000  }
0x97: {  	[sflag:s12] =	ssyncset.done $0x0  }
0x98: {  	[sflag:s12] =	ssyncadd.s32 $0xFFFFA000  }
0x99: {  	v3 =	vld [tilespmem:$0x60];
	_ =	sdelay $0x4  }
0x9a: {  	v62 =	vshrl.u32 v3, $0x3  }
0x9b: {  	v4 =	vmul.u32 $0x30, v62  }
0x9c: {  	v3 =	vand.u32 $0x7, v3  }
0x9d: {  	v3 =	vor.u32 v3, v4  }
0x9e: {  	v4 =	vperm.xlane v3, v0;
	_ =	sdelay $0x1  }
0x9f: {  	v4 =	vadd.s32 v1, v4;
	_ =	sdelay $0x3  }
0xa0: {  	v3 =	vperm.xlane v3, v2  }
0xa1: {  	[tilespmem:s0], [sflag:$0x2] =	stream.indirect_vreg.gather [hbm4b:s2+s3], $0x80, v4, vm0, $0xb8;
	[tilespmem:$0xC080] =	vst v63  }
0xa2: {  	v3 =	vadd.s32 v1, v3  }
0xa3: {  	[tilespmem:s26], [sflag:$0x2] =	stream.indirect_vreg.gather [hbm4b:s5+s3], $0x80, v4, vm0, $0xb8;
	[tilespmem:$0xC080] =	vst v63  }
0xa4: {  	_ = 	snop  }
0xa5: {  	[tilespmem:s28], [sflag:$0x2] =	stream.indirect_vreg.gather [hbm4b:s6+s3], $0x80, v4, vm0, $0xb8;
	[tilespmem:$0xC080] =	vst v63  }
0xa6: {  	_ = 	snop  }
0xa7: {  	[tilespmem:s29], [sflag:$0x2] =	stream.indirect_vreg.gather [hbm4b:s2+s3], $0x80, v3, vm0, $0xb8;
	[tilespmem:$0xC080] =	vst v63  }
0xa8: {  	_ = 	snop  }
0xa9: {  	[tilespmem:s30], [sflag:$0x2] =	stream.indirect_vreg.gather [hbm4b:s5+s3], $0x80, v3, vm0, $0xb8;
	[tilespmem:$0xC080] =	vst v63  }
0xaa: {  	_ = 	snop  }
0xab: {  	[tilespmem:s31], [sflag:$0x2] =	stream.indirect_vreg.gather [hbm4b:s6+s3], $0x80, v3, vm0, $0xb8;
	[tilespmem:$0xC080] =	vst v63  }
0xac: {  	v3 =	vld [tilespmem:$0x70];
	_ =	sdelay $0x4  }
0xad: {  	v63 =	vshrl.u32 v3, $0x3  }
0xae: {  	v4 =	vmul.u32 $0x30, v63  }
0xaf: {  	v3 =	vand.u32 $0x7, v3  }
0xb0: {  	v3 =	vor.u32 v3, v4  }
0xb1: {  	v4 =	vperm.xlane v3, v0;
	_ =	sdelay $0x1  }
0xb2: {  	v4 =	vadd.s32 v1, v4;
	_ =	sdelay $0x3  }
0xb3: {  	v3 =	vperm.xlane v3, v2  }
0xb4: {  	[tilespmem:s1], [sflag:$0x2] =	stream.indirect_vreg.gather [hbm4b:s2+s3], $0x80, v4, vm0, $0xb8;
	[tilespmem:$0xC080] =	vst v63  }
0xb5: {  	s13 =	simm.s32 $0x9880;
	v3 =	vadd.s32 v1, v3  }
0xb6: {  	[tilespmem:s13], [sflag:$0x2] =	stream.indirect_vreg.gather [hbm4b:s5+s3], $0x80, v4, vm0, $0xb8;
	[tilespmem:$0xC080] =	vst v63  }
0xb7: {  	_ = 	snop  }
0xb8: {  	[tilespmem:s8], [sflag:$0x2] =	stream.indirect_vreg.gather [hbm4b:s6+s3], $0x80, v4, vm0, $0xb8;
	[tilespmem:$0xC080] =	vst v63  }
0xb9: {  	_ = 	snop  }
0xba: {  	[tilespmem:s9], [sflag:$0x2] =	stream.indirect_vreg.gather [hbm4b:s2+s3], $0x80, v3, vm0, $0xb8;
	[tilespmem:$0xC080] =	vst v63  }
0xbb: {  	s8 =	simm.s32 $0xB080  }
0xbc: {  	[tilespmem:s8], [sflag:$0x2] =	stream.indirect_vreg.gather [hbm4b:s5+s3], $0x80, v3, vm0, $0xb8;
	[tilespmem:$0xC080] =	vst v63  }
0xbd: {  	s13 =	simm.s32 $0xB880  }
0xbe: {  	[tilespmem:s13], [sflag:$0x2] =	stream.indirect_vreg.gather [hbm4b:s6+s3], $0x80, v3, vm0, $0xb8;
	[tilespmem:$0xC080] =	vst v63  }
0xbf: {  	_ =	swait.ge [sflag:s4], $0x6000  }
0xc0: {  	[sflag:s4] =	ssyncset.done $0x0  }
0xc1: {  	s1 =	rddreg [dreg:$0x5];
	[sflag:s4] =	ssyncadd.s32 $0xFFFFA000  }
0xc2: {  	[hbm4b:s1+s3] =	stream.linear.scatter [tilespmem:s21], [sflag:$0x3], $0x6000, $0x38;
	[tilespmem:$0xC080] =	vst v63  }
0xc3: {  	_ =	swait.ge [sflag:s11], $0x6000  }
0xc4: {  	[sflag:s11] =	ssyncset.done $0x0  }
0xc5: {  	s8 =	rddreg [dreg:$0x6];
	[sflag:s11] =	ssyncadd.s32 $0xFFFFA000  }
0xc6: {  	[hbm4b:s8+s3] =	stream.linear.scatter [tilespmem:s0], [sflag:$0x4], $0x6000, $0x38;
	[tilespmem:$0xC080] =	vst v63  }
0xc7: {  	p0 =	sne.s32 s7, $0x1;
	_ =	swait.ge [sflag:s10], $0x6000  }
.Ltmp0:
0xc8: {  	[sflag:s10] =	ssyncset.done $0x0;
	(pc) =	sbr.rel @p0 .LBB2_1-.Ltmp0, $4  }
0xc9: {  	[sflag:s10] =	ssyncadd.s32 $0xFFFFA000  }
0xca: {  	_ =	swait.ge [sflag:s12], $0x6000  }
0xcb: {  	[sflag:s12] =	ssyncset.done $0x0  }
0xcc: {  	s7 =	sadd.s32 $0xFFFFFFFF, s7;
	[sflag:s12] =	ssyncadd.s32 $0xFFFFA000  }
0xcd: {  	_ =	sfence.sel $0x180000  }
0xce: {  	[bflag:$0x0] =	sbarrier.arrive $0xFFFF  }
0xcf: {  	_ =	strace $0x9000004A  }
0xd0: {  	s0 =	stileid.u32;
	[bflag:$0x2] =	sbarrier.arrive $0xFFFF  }
0xd1: {  	p0 =	sne.s32 s0, $0x0;
	s0 =	rddreg [dreg:$0x2]  }
0xd2: {  	s0 =	sadd.s32 @!p0 $0x100000, s0  }
0xd3: {  	[sflag:s0] =	ssyncadd.tile.s32 @!p0 $0x1;
	_ =	shalt  }
.Lfunc_end2:
_tile_overlayer_lowered:
.L_overlay_start_2:
0xd4: {  	(tag) =	ssettag $0x2  }
0xd5: {  	s0 =	rddreg [dreg:$0x0];
	s2 =	stileid.u32  }
0xd6: {  	s1 =	rddreg [dreg:$0x1];
	p0 =	sne.s32 s2, $0x0  }
0xd7: {  	s3 =	rddreg [dreg:$0x2];
	[bflag:$0x3] =	sbarrier.arrive $0xFFFF;
	s2 =	simm.s32 @!p0 $0x1C05  }
0xd8: {  	[timem:s3], [sflag:s2] =	dma.local @!p0 [hbm:s0], s1  }
0xd9: {  	s0 =	simm.s32 @!p0 $0x5  }
0xda: {  	_ =	swait.ge @!p0 [sflag:s0], s1  }
0xdb: {  	s1 =	ssub.s32 @!p0 $0x0, s1;
	[sflag:s0] =	ssyncset.done @!p0 $0x0  }
0xdc: {  	[sflag:s0] =	ssyncadd.s32 @!p0 s1  }
0xdd: {  	[bflag:$0x3] =	sbarrier.arrive $0xFFFF  }
0xde: {  	_ =	shalt  }

</sc_bundles>
